<compile_context>
chip_gen: v7x
topology: tpu7x:2x2x1
jax: 0.10.2.dev20260603
libtpu: 0.0.44.dev20260713+nightly
codegen_flags: <defaults>
</compile_context>

<pallas_src>
import functools

import jax
import jax.numpy as jnp
from jax import lax
from jax.experimental import pallas as pl
from jax.experimental.pallas import tpu as pltpu
from jax.experimental.pallas import tpu_sc as plsc

_NC = 2
_NS = 16
_NW = _NC * _NS
_NB = 6
_LA = 3


@functools.cache
def _build(V, D, B, H):
    n_b = B // _NW
    n_loop = ((H - _NB - _LA) // _NB) * _NB
    n_epi = H - _NB - n_loop
    mesh = plsc.VectorSubcoreMesh(core_axis_name="c", subcore_axis_name="s")

    @functools.partial(
        pl.kernel,
        out_type=jax.ShapeDtypeStruct((H, B, D), jnp.float32),
        mesh=mesh,
        scratch_types=[
            pltpu.VMEM((H, n_b), jnp.int32),
            [pltpu.VMEM((n_b, D), jnp.float32) for _ in range(_NB)],
            [pltpu.SemaphoreType.DMA for _ in range(_NB)],
            [pltpu.SemaphoreType.DMA for _ in range(_NB)],
            pltpu.SemaphoreType.DMA,
        ],
    )
    def k(idx_hbm, table_hbm, out_hbm, idx_v, bufs, gsems, wsems, isem):
        wid = lax.axis_index("s") * _NC + lax.axis_index("c")
        base = wid * n_b

        def gather(c, b):
            pltpu.async_copy(table_hbm.at[idx_v.at[c]], bufs[b], gsems[b])

        def wait_gather(b):
            pltpu.make_async_copy(
                table_hbm.at[pl.ds(0, n_b)], bufs[b], gsems[b]).wait()

        def write(c, b):
            pltpu.async_copy(
                bufs[b], out_hbm.at[c, pl.ds(base, n_b)], wsems[b])

        def wait_write(b):
            pltpu.make_async_copy(
                bufs[b], out_hbm.at[0, pl.ds(base, n_b)], wsems[b]).wait()

        def step(c, b, refill_c, need_wwait):
            wait_gather(b)
            write(c, b)
            if refill_c is not None:
                b2 = (b + _LA) % _NB
                if need_wwait:
                    wait_write(b2)
                gather(refill_c, b2)

        pltpu.sync_copy(
            idx_hbm.at[pl.ds(0, 8), pl.ds(base, n_b)], idx_v.at[pl.ds(0, 8)])
        rest = pltpu.async_copy(
            idx_hbm.at[pl.ds(8, H - 8), pl.ds(base, n_b)],
            idx_v.at[pl.ds(8, H - 8)], isem)
        for c in range(_LA):
            gather(c, c % _NB)
        rest.wait()
        for c in range(_NB):
            step(c, c % _NB, c + _LA, c >= _NB - _LA)

        @pl.loop(_NB, _NB + n_loop, step=_NB)
        def _(i):
            for b in range(_NB):
                step(i + b, b, i + b + _LA, True)

        for e in range(n_epi):
            c = _NB + n_loop + e
            rc = c + _LA
            step(c, c % _NB, rc if rc < H else None, True)
        for c in range(H - _NB, H):
            wait_write(c % _NB)

    return k


def kernel(seqs, table):
    B, H = seqs.shape
    V, D = table.shape
    assert B % (_NW * 8) == 0
    assert B // _NW <= 128
    assert H >= _NB + _LA
    idx_t = seqs.astype(jnp.int32).T
    out_t = _build(V, D, B, H)(idx_t, table)
    return jnp.transpose(out_t, (1, 0, 2))

# --- scband reference (transcript-rebuilt; emitter-appended) ---
"""Pipeline reference for scband-simplest-encoder-70153995813109 (READ-ONLY COPY).

The authoritative reference and input builder live on the scoring server;
editing this copy changes nothing except your own understanding.
"""

import jax, jax.numpy as jnp
import numpy as np

NUM_VOCAB = 100000
EMBED_DIM = 128
BATCH = 4096
HIST_LEN = 50


def setup_inputs(seed: int = 0) -> dict:
    key = jax.random.key(seed)
    k_idx, k_tab = jax.random.split(key)
    seqs = jax.random.randint(k_idx, (BATCH, HIST_LEN), 0, NUM_VOCAB, dtype=jnp.int64 if jax.config.jax_enable_x64 else jnp.int32)
    table = jax.random.normal(k_tab, (NUM_VOCAB, EMBED_DIM), dtype=jnp.float32)
    # padding_idx=0: row 0 is zeros, matching nn.Embedding(padding_idx=0) init behavior
    table = table.at[0].set(0.0)
    return {"seqs": seqs, "table": table}


def reference(seqs, table):
    # nn.Embedding(num_vocab, embed_dim, padding_idx=0): plain gather; row 0 already zeroed
    t = table.at[0].set(0.0)
    out = jnp.take(t, seqs, axis=0)
    return out

if __name__ == "__main__":
    import jax
    _d = setup_inputs()
    print(jax.jit(kernel)(*tuple(_d.values())))

</pallas_src>

<mosaic_0001>
#map = affine_map<(d0, d1) -> (0, 0)>
#map1 = affine_map<(d0, d1) -> (0, 0, 0)>
module attributes {stable_mosaic.version = 14 : i64} {
  func.func @k(%arg0: i32, %arg1: i32, %arg2: memref<50x4096xi32, #tpu.memory_space<hbm>>, %arg3: memref<100000x128xf32, #tpu.memory_space<hbm>>, %arg4: memref<50x4096x128xf32, #tpu.memory_space<hbm>>, %arg5: memref<50x128xi32, #tpu.memory_space<vmem>>, %arg6: memref<128x128xf32, #tpu.memory_space<vmem>>, %arg7: memref<128x128xf32, #tpu.memory_space<vmem>>, %arg8: memref<128x128xf32, #tpu.memory_space<vmem>>, %arg9: memref<128x128xf32, #tpu.memory_space<vmem>>, %arg10: memref<128x128xf32, #tpu.memory_space<vmem>>, %arg11: memref<128x128xf32, #tpu.memory_space<vmem>>, %arg12: memref<!tpu.dma_semaphore, #tpu.memory_space<semaphore_mem>>, %arg13: memref<!tpu.dma_semaphore, #tpu.memory_space<semaphore_mem>>, %arg14: memref<!tpu.dma_semaphore, #tpu.memory_space<semaphore_mem>>, %arg15: memref<!tpu.dma_semaphore, #tpu.memory_space<semaphore_mem>>, %arg16: memref<!tpu.dma_semaphore, #tpu.memory_space<semaphore_mem>>, %arg17: memref<!tpu.dma_semaphore, #tpu.memory_space<semaphore_mem>>, %arg18: memref<!tpu.dma_semaphore, #tpu.memory_space<semaphore_mem>>, %arg19: memref<!tpu.dma_semaphore, #tpu.memory_space<semaphore_mem>>, %arg20: memref<!tpu.dma_semaphore, #tpu.memory_space<semaphore_mem>>, %arg21: memref<!tpu.dma_semaphore, #tpu.memory_space<semaphore_mem>>, %arg22: memref<!tpu.dma_semaphore, #tpu.memory_space<semaphore_mem>>, %arg23: memref<!tpu.dma_semaphore, #tpu.memory_space<semaphore_mem>>, %arg24: memref<!tpu.dma_semaphore, #tpu.memory_space<semaphore_mem>>) attributes {dimension_semantics = [#tpu.dimension_semantics<core_parallel>, #tpu.dimension_semantics<subcore_parallel>], iteration_bounds = array<i64: 2, 16>, scalar_prefetch = 0 : i64, scratch_operands = 20 : i64, tpu.core_type = #tpu.core_type<sc_vector_subcore>, window_params = [{transform_indices = #map}, {transform_indices = #map}, {transform_indices = #map1}]} {
    %mul3A = arith.constant 2 : i32
    %mul3A_0 = arith.muli %arg1, %mul3A : i32
    %add3A = arith.addi %mul3A_0, %arg0 : i32
    %mul3A_1 = arith.constant 128 : i32
    %mul3A_2 = arith.muli %add3A, %mul3A_1 : i32
    "tpu.region"() ({
      %run_scoped3A = tpu.sem_alloc : memref<!tpu.dma_semaphore, #tpu.memory_space<semaphore_mem>>
      %dma_start3A_403 = arith.constant 0 : i32
      %dma_start3A_404 = arith.constant 0 : i32
      %dma_start3A_405 = tpu.memref_slice %arg5[%dma_start3A_403, %dma_start3A_404] : memref<50x128xi32, #tpu.memory_space<vmem>> -> memref<8x128xi32, #tpu.memory_space<vmem>>
      %dma_start3A_406 = arith.constant 0 : i32
      %dma_start3A_407 = tpu.memref_slice %arg2[%dma_start3A_406, %mul3A_2] : memref<50x4096xi32, #tpu.memory_space<hbm>> -> memref<8x128xi32, #tpu.memory_space<hbm>>
      %dma_start3A_408 = arith.constant 0 : i32
      %dma_start3A_409 = arith.constant 0 : i32
      %dma_start3A_410 = tpu.memref_slice %arg5[%dma_start3A_408, %dma_start3A_409] : memref<50x128xi32, #tpu.memory_space<vmem>> -> memref<8x128xi32, #tpu.memory_space<vmem>>
      %dma_start3A_411 = arith.constant 0 : i32
      %dma_start3A_412 = tpu.memref_slice %arg2[%dma_start3A_411, %mul3A_2] : memref<50x4096xi32, #tpu.memory_space<hbm>> -> memref<8x128xi32, #tpu.memory_space<hbm>>
      tpu.enqueue_dma source(%dma_start3A_412 : memref<8x128xi32, #tpu.memory_space<hbm>>) target(%dma_start3A_410 : memref<8x128xi32, #tpu.memory_space<vmem>>) target_semaphore(%run_scoped3A : memref<!tpu.dma_semaphore, #tpu.memory_space<semaphore_mem>>)
      %dma_wait3A_413 = arith.constant 0 : i32
      %dma_wait3A_414 = arith.constant 0 : i32
      %dma_wait3A_415 = tpu.memref_slice %arg5[%dma_wait3A_413, %dma_wait3A_414] : memref<50x128xi32, #tpu.memory_space<vmem>> -> memref<8x128xi32, #tpu.memory_space<vmem>>
      %dma_wait3A_416 = arith.constant 0 : i32
      %dma_wait3A_417 = tpu.memref_slice %arg2[%dma_wait3A_416, %mul3A_2] : memref<50x4096xi32, #tpu.memory_space<hbm>> -> memref<8x128xi32, #tpu.memory_space<hbm>>
      %dma_wait3A_418 = arith.constant 0 : i32
      %dma_wait3A_419 = arith.constant 0 : i32
      %dma_wait3A_420 = tpu.memref_slice %arg5[%dma_wait3A_418, %dma_wait3A_419] : memref<50x128xi32, #tpu.memory_space<vmem>> -> memref<8x128xi32, #tpu.memory_space<vmem>>
      %dma_wait3A_421 = arith.constant 0 : i32
      %dma_wait3A_422 = tpu.memref_slice %arg2[%dma_wait3A_421, %mul3A_2] : memref<50x4096xi32, #tpu.memory_space<hbm>> -> memref<8x128xi32, #tpu.memory_space<hbm>>
      tpu.wait_dma2 semaphore(%run_scoped3A : memref<!tpu.dma_semaphore, #tpu.memory_space<semaphore_mem>>) src(%dma_wait3A_422 : memref<8x128xi32, #tpu.memory_space<hbm>>) dst(%dma_wait3A_420 : memref<8x128xi32, #tpu.memory_space<vmem>>)
      tpu.yield
    }) : () -> ()
    %dma_start3A = arith.constant 8 : i32
    %dma_start3A_3 = arith.constant 0 : i32
    %dma_start3A_4 = tpu.memref_slice %arg5[%dma_start3A, %dma_start3A_3] : memref<50x128xi32, #tpu.memory_space<vmem>> -> memref<42x128xi32, #tpu.memory_space<vmem>>
    %dma_start3A_5 = arith.constant 8 : i32
    %dma_start3A_6 = tpu.memref_slice %arg2[%dma_start3A_5, %mul3A_2] : memref<50x4096xi32, #tpu.memory_space<hbm>> -> memref<42x128xi32, #tpu.memory_space<hbm>>
    %dma_start3A_7 = arith.constant 8 : i32
    %dma_start3A_8 = arith.constant 0 : i32
    %dma_start3A_9 = tpu.memref_slice %arg5[%dma_start3A_7, %dma_start3A_8] : memref<50x128xi32, #tpu.memory_space<vmem>> -> memref<42x128xi32, #tpu.memory_space<vmem>>
    %dma_start3A_10 = arith.constant 8 : i32
    %dma_start3A_11 = tpu.memref_slice %arg2[%dma_start3A_10, %mul3A_2] : memref<50x4096xi32, #tpu.memory_space<hbm>> -> memref<42x128xi32, #tpu.memory_space<hbm>>
    tpu.enqueue_dma source(%dma_start3A_11 : memref<42x128xi32, #tpu.memory_space<hbm>>) target(%dma_start3A_9 : memref<42x128xi32, #tpu.memory_space<vmem>>) target_semaphore(%arg24 : memref<!tpu.dma_semaphore, #tpu.memory_space<semaphore_mem>>)
    %dma_start3A_12 = arith.constant 0 : i32
    %dma_start3A_13 = arith.constant 0 : i32
    %dma_start3A_14 = tpu.memref_slice %arg5[%dma_start3A_12, %dma_start3A_13] : memref<50x128xi32, #tpu.memory_space<vmem>> -> memref<1x128xi32, #tpu.memory_space<vmem>>
    %dma_start3A_15 = tpu.memref_squeeze %dma_start3A_14 : memref<1x128xi32, #tpu.memory_space<vmem>> -> memref<128xi32, #tpu.memory_space<vmem>>
    %dma_start3A_16 = arith.constant 0 : i32
    %dma_start3A_17 = arith.constant 0 : i32
    %dma_start3A_18 = tpu.memref_slice %arg3[%dma_start3A_16, %dma_start3A_17] : memref<100000x128xf32, #tpu.memory_space<hbm>> -> memref<100000x128xf32, #tpu.memory_space<hbm>>
    tpu.enqueue_indirect_dma source(%dma_start3A_18 : memref<100000x128xf32, #tpu.memory_space<hbm>>) target(%arg6 : memref<128x128xf32, #tpu.memory_space<vmem>>) offsets(%dma_start3A_15 : memref<128xi32, #tpu.memory_space<vmem>>) semaphore(%arg12 : memref<!tpu.dma_semaphore, #tpu.memory_space<semaphore_mem>>)
    %dma_start3A_19 = arith.constant 1 : i32
    %dma_start3A_20 = arith.constant 0 : i32
    %dma_start3A_21 = tpu.memref_slice %arg5[%dma_start3A_19, %dma_start3A_20] : memref<50x128xi32, #tpu.memory_space<vmem>> -> memref<1x128xi32, #tpu.memory_space<vmem>>
    %dma_start3A_22 = tpu.memref_squeeze %dma_start3A_21 : memref<1x128xi32, #tpu.memory_space<vmem>> -> memref<128xi32, #tpu.memory_space<vmem>>
    %dma_start3A_23 = arith.constant 0 : i32
    %dma_start3A_24 = arith.constant 0 : i32
    %dma_start3A_25 = tpu.memref_slice %arg3[%dma_start3A_23, %dma_start3A_24] : memref<100000x128xf32, #tpu.memory_space<hbm>> -> memref<100000x128xf32, #tpu.memory_space<hbm>>
    tpu.enqueue_indirect_dma source(%dma_start3A_25 : memref<100000x128xf32, #tpu.memory_space<hbm>>) target(%arg7 : memref<128x128xf32, #tpu.memory_space<vmem>>) offsets(%dma_start3A_22 : memref<128xi32, #tpu.memory_space<vmem>>) semaphore(%arg13 : memref<!tpu.dma_semaphore, #tpu.memory_space<semaphore_mem>>)
    %dma_start3A_26 = arith.constant 2 : i32
    %dma_start3A_27 = arith.constant 0 : i32
    %dma_start3A_28 = tpu.memref_slice %arg5[%dma_start3A_26, %dma_start3A_27] : memref<50x128xi32, #tpu.memory_space<vmem>> -> memref<1x128xi32, #tpu.memory_space<vmem>>
    %dma_start3A_29 = tpu.memref_squeeze %dma_start3A_28 : memref<1x128xi32, #tpu.memory_space<vmem>> -> memref<128xi32, #tpu.memory_space<vmem>>
    %dma_start3A_30 = arith.constant 0 : i32
    %dma_start3A_31 = arith.constant 0 : i32
    %dma_start3A_32 = tpu.memref_slice %arg3[%dma_start3A_30, %dma_start3A_31] : memref<100000x128xf32, #tpu.memory_space<hbm>> -> memref<100000x128xf32, #tpu.memory_space<hbm>>
    tpu.enqueue_indirect_dma source(%dma_start3A_32 : memref<100000x128xf32, #tpu.memory_space<hbm>>) target(%arg8 : memref<128x128xf32, #tpu.memory_space<vmem>>) offsets(%dma_start3A_29 : memref<128xi32, #tpu.memory_space<vmem>>) semaphore(%arg14 : memref<!tpu.dma_semaphore, #tpu.memory_space<semaphore_mem>>)
    %dma_wait3A = arith.constant 8 : i32
    %dma_wait3A_33 = arith.constant 0 : i32
    %dma_wait3A_34 = tpu.memref_slice %arg5[%dma_wait3A, %dma_wait3A_33] : memref<50x128xi32, #tpu.memory_space<vmem>> -> memref<42x128xi32, #tpu.memory_space<vmem>>
    %dma_wait3A_35 = arith.constant 8 : i32
    %dma_wait3A_36 = tpu.memref_slice %arg2[%dma_wait3A_35, %mul3A_2] : memref<50x4096xi32, #tpu.memory_space<hbm>> -> memref<42x128xi32, #tpu.memory_space<hbm>>
    %dma_wait3A_37 = arith.constant 8 : i32
    %dma_wait3A_38 = arith.constant 0 : i32
    %dma_wait3A_39 = tpu.memref_slice %arg5[%dma_wait3A_37, %dma_wait3A_38] : memref<50x128xi32, #tpu.memory_space<vmem>> -> memref<42x128xi32, #tpu.memory_space<vmem>>
    %dma_wait3A_40 = arith.constant 8 : i32
    %dma_wait3A_41 = tpu.memref_slice %arg2[%dma_wait3A_40, %mul3A_2] : memref<50x4096xi32, #tpu.memory_space<hbm>> -> memref<42x128xi32, #tpu.memory_space<hbm>>
    tpu.wait_dma2 semaphore(%arg24 : memref<!tpu.dma_semaphore, #tpu.memory_space<semaphore_mem>>) src(%dma_wait3A_41 : memref<42x128xi32, #tpu.memory_space<hbm>>) dst(%dma_wait3A_39 : memref<42x128xi32, #tpu.memory_space<vmem>>)
    %dma_wait3A_42 = arith.constant 0 : i32
    %dma_wait3A_43 = arith.constant 0 : i32
    %dma_wait3A_44 = tpu.memref_slice %arg3[%dma_wait3A_42, %dma_wait3A_43] : memref<100000x128xf32, #tpu.memory_space<hbm>> -> memref<128x128xf32, #tpu.memory_space<hbm>>
    %dma_wait3A_45 = arith.constant 0 : i32
    %dma_wait3A_46 = arith.constant 0 : i32
    %dma_wait3A_47 = tpu.memref_slice %arg3[%dma_wait3A_45, %dma_wait3A_46] : memref<100000x128xf32, #tpu.memory_space<hbm>> -> memref<128x128xf32, #tpu.memory_space<hbm>>
    tpu.wait_dma2 semaphore(%arg12 : memref<!tpu.dma_semaphore, #tpu.memory_space<semaphore_mem>>) src(%dma_wait3A_47 : memref<128x128xf32, #tpu.memory_space<hbm>>) dst(%arg6 : memref<128x128xf32, #tpu.memory_space<vmem>>)
    %dma_start3A_48 = arith.constant 0 : i32
    %dma_start3A_49 = arith.constant 0 : i32
    %dma_start3A_50 = tpu.memref_slice %arg4[%dma_start3A_48, %mul3A_2, %dma_start3A_49] : memref<50x4096x128xf32, #tpu.memory_space<hbm>> -> memref<1x128x128xf32, #tpu.memory_space<hbm>>
    %dma_start3A_51 = tpu.memref_squeeze %dma_start3A_50 : memref<1x128x128xf32, #tpu.memory_space<hbm>> -> memref<128x128xf32, #tpu.memory_space<hbm>>
    %dma_start3A_52 = arith.constant 0 : i32
    %dma_start3A_53 = tpu.memref_slice %arg4[%dma_start3A_48, %mul3A_2, %dma_start3A_52] : memref<50x4096x128xf32, #tpu.memory_space<hbm>> -> memref<1x128x128xf32, #tpu.memory_space<hbm>>
    %dma_start3A_54 = tpu.memref_squeeze %dma_start3A_53 : memref<1x128x128xf32, #tpu.memory_space<hbm>> -> memref<128x128xf32, #tpu.memory_space<hbm>>
    tpu.enqueue_dma source(%arg6 : memref<128x128xf32, #tpu.memory_space<vmem>>) target(%dma_start3A_54 : memref<128x128xf32, #tpu.memory_space<hbm>>) target_semaphore(%arg18 : memref<!tpu.dma_semaphore, #tpu.memory_space<semaphore_mem>>)
    %dma_start3A_55 = arith.constant 3 : i32
    %dma_start3A_56 = arith.constant 0 : i32
    %dma_start3A_57 = tpu.memref_slice %arg5[%dma_start3A_55, %dma_start3A_56] : memref<50x128xi32, #tpu.memory_space<vmem>> -> memref<1x128xi32, #tpu.memory_space<vmem>>
    %dma_start3A_58 = tpu.memref_squeeze %dma_start3A_57 : memref<1x128xi32, #tpu.memory_space<vmem>> -> memref<128xi32, #tpu.memory_space<vmem>>
    %dma_start3A_59 = arith.constant 0 : i32
    %dma_start3A_60 = arith.constant 0 : i32
    %dma_start3A_61 = tpu.memref_slice %arg3[%dma_start3A_59, %dma_start3A_60] : memref<100000x128xf32, #tpu.memory_space<hbm>> -> memref<100000x128xf32, #tpu.memory_space<hbm>>
    tpu.enqueue_indirect_dma source(%dma_start3A_61 : memref<100000x128xf32, #tpu.memory_space<hbm>>) target(%arg9 : memref<128x128xf32, #tpu.memory_space<vmem>>) offsets(%dma_start3A_58 : memref<128xi32, #tpu.memory_space<vmem>>) semaphore(%arg15 : memref<!tpu.dma_semaphore, #tpu.memory_space<semaphore_mem>>)
    %dma_wait3A_62 = arith.constant 0 : i32
    %dma_wait3A_63 = arith.constant 0 : i32
    %dma_wait3A_64 = tpu.memref_slice %arg3[%dma_wait3A_62, %dma_wait3A_63] : memref<100000x128xf32, #tpu.memory_space<hbm>> -> memref<128x128xf32, #tpu.memory_space<hbm>>
    %dma_wait3A_65 = arith.constant 0 : i32
    %dma_wait3A_66 = arith.constant 0 : i32
    %dma_wait3A_67 = tpu.memref_slice %arg3[%dma_wait3A_65, %dma_wait3A_66] : memref<100000x128xf32, #tpu.memory_space<hbm>> -> memref<128x128xf32, #tpu.memory_space<hbm>>
    tpu.wait_dma2 semaphore(%arg13 : memref<!tpu.dma_semaphore, #tpu.memory_space<semaphore_mem>>) src(%dma_wait3A_67 : memref<128x128xf32, #tpu.memory_space<hbm>>) dst(%arg7 : memref<128x128xf32, #tpu.memory_space<vmem>>)
    %dma_start3A_68 = arith.constant 1 : i32
    %dma_start3A_69 = arith.constant 0 : i32
    %dma_start3A_70 = tpu.memref_slice %arg4[%dma_start3A_68, %mul3A_2, %dma_start3A_69] : memref<50x4096x128xf32, #tpu.memory_space<hbm>> -> memref<1x128x128xf32, #tpu.memory_space<hbm>>
    %dma_start3A_71 = tpu.memref_squeeze %dma_start3A_70 : memref<1x128x128xf32, #tpu.memory_space<hbm>> -> memref<128x128xf32, #tpu.memory_space<hbm>>
    %dma_start3A_72 = arith.constant 0 : i32
    %dma_start3A_73 = tpu.memref_slice %arg4[%dma_start3A_68, %mul3A_2, %dma_start3A_72] : memref<50x4096x128xf32, #tpu.memory_space<hbm>> -> memref<1x128x128xf32, #tpu.memory_space<hbm>>
    %dma_start3A_74 = tpu.memref_squeeze %dma_start3A_73 : memref<1x128x128xf32, #tpu.memory_space<hbm>> -> memref<128x128xf32, #tpu.memory_space<hbm>>
    tpu.enqueue_dma source(%arg7 : memref<128x128xf32, #tpu.memory_space<vmem>>) target(%dma_start3A_74 : memref<128x128xf32, #tpu.memory_space<hbm>>) target_semaphore(%arg19 : memref<!tpu.dma_semaphore, #tpu.memory_space<semaphore_mem>>)
    %dma_start3A_75 = arith.constant 4 : i32
    %dma_start3A_76 = arith.constant 0 : i32
    %dma_start3A_77 = tpu.memref_slice %arg5[%dma_start3A_75, %dma_start3A_76] : memref<50x128xi32, #tpu.memory_space<vmem>> -> memref<1x128xi32, #tpu.memory_space<vmem>>
    %dma_start3A_78 = tpu.memref_squeeze %dma_start3A_77 : memref<1x128xi32, #tpu.memory_space<vmem>> -> memref<128xi32, #tpu.memory_space<vmem>>
    %dma_start3A_79 = arith.constant 0 : i32
    %dma_start3A_80 = arith.constant 0 : i32
    %dma_start3A_81 = tpu.memref_slice %arg3[%dma_start3A_79, %dma_start3A_80] : memref<100000x128xf32, #tpu.memory_space<hbm>> -> memref<100000x128xf32, #tpu.memory_space<hbm>>
    tpu.enqueue_indirect_dma source(%dma_start3A_81 : memref<100000x128xf32, #tpu.memory_space<hbm>>) target(%arg10 : memref<128x128xf32, #tpu.memory_space<vmem>>) offsets(%dma_start3A_78 : memref<128xi32, #tpu.memory_space<vmem>>) semaphore(%arg16 : memref<!tpu.dma_semaphore, #tpu.memory_space<semaphore_mem>>)
    %dma_wait3A_82 = arith.constant 0 : i32
    %dma_wait3A_83 = arith.constant 0 : i32
    %dma_wait3A_84 = tpu.memref_slice %arg3[%dma_wait3A_82, %dma_wait3A_83] : memref<100000x128xf32, #tpu.memory_space<hbm>> -> memref<128x128xf32, #tpu.memory_space<hbm>>
    %dma_wait3A_85 = arith.constant 0 : i32
    %dma_wait3A_86 = arith.constant 0 : i32
    %dma_wait3A_87 = tpu.memref_slice %arg3[%dma_wait3A_85, %dma_wait3A_86] : memref<100000x128xf32, #tpu.memory_space<hbm>> -> memref<128x128xf32, #tpu.memory_space<hbm>>
    tpu.wait_dma2 semaphore(%arg14 : memref<!tpu.dma_semaphore, #tpu.memory_space<semaphore_mem>>) src(%dma_wait3A_87 : memref<128x128xf32, #tpu.memory_space<hbm>>) dst(%arg8 : memref<128x128xf32, #tpu.memory_space<vmem>>)
    %dma_start3A_88 = arith.constant 2 : i32
    %dma_start3A_89 = arith.constant 0 : i32
    %dma_start3A_90 = tpu.memref_slice %arg4[%dma_start3A_88, %mul3A_2, %dma_start3A_89] : memref<50x4096x128xf32, #tpu.memory_space<hbm>> -> memref<1x128x128xf32, #tpu.memory_space<hbm>>
    %dma_start3A_91 = tpu.memref_squeeze %dma_start3A_90 : memref<1x128x128xf32, #tpu.memory_space<hbm>> -> memref<128x128xf32, #tpu.memory_space<hbm>>
    %dma_start3A_92 = arith.constant 0 : i32
    %dma_start3A_93 = tpu.memref_slice %arg4[%dma_start3A_88, %mul3A_2, %dma_start3A_92] : memref<50x4096x128xf32, #tpu.memory_space<hbm>> -> memref<1x128x128xf32, #tpu.memory_space<hbm>>
    %dma_start3A_94 = tpu.memref_squeeze %dma_start3A_93 : memref<1x128x128xf32, #tpu.memory_space<hbm>> -> memref<128x128xf32, #tpu.memory_space<hbm>>
    tpu.enqueue_dma source(%arg8 : memref<128x128xf32, #tpu.memory_space<vmem>>) target(%dma_start3A_94 : memref<128x128xf32, #tpu.memory_space<hbm>>) target_semaphore(%arg20 : memref<!tpu.dma_semaphore, #tpu.memory_space<semaphore_mem>>)
    %dma_start3A_95 = arith.constant 5 : i32
    %dma_start3A_96 = arith.constant 0 : i32
    %dma_start3A_97 = tpu.memref_slice %arg5[%dma_start3A_95, %dma_start3A_96] : memref<50x128xi32, #tpu.memory_space<vmem>> -> memref<1x128xi32, #tpu.memory_space<vmem>>
    %dma_start3A_98 = tpu.memref_squeeze %dma_start3A_97 : memref<1x128xi32, #tpu.memory_space<vmem>> -> memref<128xi32, #tpu.memory_space<vmem>>
    %dma_start3A_99 = arith.constant 0 : i32
    %dma_start3A_100 = arith.constant 0 : i32
    %dma_start3A_101 = tpu.memref_slice %arg3[%dma_start3A_99, %dma_start3A_100] : memref<100000x128xf32, #tpu.memory_space<hbm>> -> memref<100000x128xf32, #tpu.memory_space<hbm>>
    tpu.enqueue_indirect_dma source(%dma_start3A_101 : memref<100000x128xf32, #tpu.memory_space<hbm>>) target(%arg11 : memref<128x128xf32, #tpu.memory_space<vmem>>) offsets(%dma_start3A_98 : memref<128xi32, #tpu.memory_space<vmem>>) semaphore(%arg17 : memref<!tpu.dma_semaphore, #tpu.memory_space<semaphore_mem>>)
    %dma_wait3A_102 = arith.constant 0 : i32
    %dma_wait3A_103 = arith.constant 0 : i32
    %dma_wait3A_104 = tpu.memref_slice %arg3[%dma_wait3A_102, %dma_wait3A_103] : memref<100000x128xf32, #tpu.memory_space<hbm>> -> memref<128x128xf32, #tpu.memory_space<hbm>>
    %dma_wait3A_105 = arith.constant 0 : i32
    %dma_wait3A_106 = arith.constant 0 : i32
    %dma_wait3A_107 = tpu.memref_slice %arg3[%dma_wait3A_105, %dma_wait3A_106] : memref<100000x128xf32, #tpu.memory_space<hbm>> -> memref<128x128xf32, #tpu.memory_space<hbm>>
    tpu.wait_dma2 semaphore(%arg15 : memref<!tpu.dma_semaphore, #tpu.memory_space<semaphore_mem>>) src(%dma_wait3A_107 : memref<128x128xf32, #tpu.memory_space<hbm>>) dst(%arg9 : memref<128x128xf32, #tpu.memory_space<vmem>>)
    %dma_start3A_108 = arith.constant 3 : i32
    %dma_start3A_109 = arith.constant 0 : i32
    %dma_start3A_110 = tpu.memref_slice %arg4[%dma_start3A_108, %mul3A_2, %dma_start3A_109] : memref<50x4096x128xf32, #tpu.memory_space<hbm>> -> memref<1x128x128xf32, #tpu.memory_space<hbm>>
    %dma_start3A_111 = tpu.memref_squeeze %dma_start3A_110 : memref<1x128x128xf32, #tpu.memory_space<hbm>> -> memref<128x128xf32, #tpu.memory_space<hbm>>
    %dma_start3A_112 = arith.constant 0 : i32
    %dma_start3A_113 = tpu.memref_slice %arg4[%dma_start3A_108, %mul3A_2, %dma_start3A_112] : memref<50x4096x128xf32, #tpu.memory_space<hbm>> -> memref<1x128x128xf32, #tpu.memory_space<hbm>>
    %dma_start3A_114 = tpu.memref_squeeze %dma_start3A_113 : memref<1x128x128xf32, #tpu.memory_space<hbm>> -> memref<128x128xf32, #tpu.memory_space<hbm>>
    tpu.enqueue_dma source(%arg9 : memref<128x128xf32, #tpu.memory_space<vmem>>) target(%dma_start3A_114 : memref<128x128xf32, #tpu.memory_space<hbm>>) target_semaphore(%arg21 : memref<!tpu.dma_semaphore, #tpu.memory_space<semaphore_mem>>)
    %dma_wait3A_115 = arith.constant 0 : i32
    %dma_wait3A_116 = arith.constant 0 : i32
    %dma_wait3A_117 = tpu.memref_slice %arg4[%dma_wait3A_115, %mul3A_2, %dma_wait3A_116] : memref<50x4096x128xf32, #tpu.memory_space<hbm>> -> memref<1x128x128xf32, #tpu.memory_space<hbm>>
    %dma_wait3A_118 = tpu.memref_squeeze %dma_wait3A_117 : memref<1x128x128xf32, #tpu.memory_space<hbm>> -> memref<128x128xf32, #tpu.memory_space<hbm>>
    %dma_wait3A_119 = arith.constant 0 : i32
    %dma_wait3A_120 = tpu.memref_slice %arg4[%dma_wait3A_115, %mul3A_2, %dma_wait3A_119] : memref<50x4096x128xf32, #tpu.memory_space<hbm>> -> memref<1x128x128xf32, #tpu.memory_space<hbm>>
    %dma_wait3A_121 = tpu.memref_squeeze %dma_wait3A_120 : memref<1x128x128xf32, #tpu.memory_space<hbm>> -> memref<128x128xf32, #tpu.memory_space<hbm>>
    tpu.wait_dma2 semaphore(%arg18 : memref<!tpu.dma_semaphore, #tpu.memory_space<semaphore_mem>>) src(%arg6 : memref<128x128xf32, #tpu.memory_space<vmem>>) dst(%dma_wait3A_121 : memref<128x128xf32, #tpu.memory_space<hbm>>)
    %dma_start3A_122 = arith.constant 6 : i32
    %dma_start3A_123 = arith.constant 0 : i32
    %dma_start3A_124 = tpu.memref_slice %arg5[%dma_start3A_122, %dma_start3A_123] : memref<50x128xi32, #tpu.memory_space<vmem>> -> memref<1x128xi32, #tpu.memory_space<vmem>>
    %dma_start3A_125 = tpu.memref_squeeze %dma_start3A_124 : memref<1x128xi32, #tpu.memory_space<vmem>> -> memref<128xi32, #tpu.memory_space<vmem>>
    %dma_start3A_126 = arith.constant 0 : i32
    %dma_start3A_127 = arith.constant 0 : i32
    %dma_start3A_128 = tpu.memref_slice %arg3[%dma_start3A_126, %dma_start3A_127] : memref<100000x128xf32, #tpu.memory_space<hbm>> -> memref<100000x128xf32, #tpu.memory_space<hbm>>
    tpu.enqueue_indirect_dma source(%dma_start3A_128 : memref<100000x128xf32, #tpu.memory_space<hbm>>) target(%arg6 : memref<128x128xf32, #tpu.memory_space<vmem>>) offsets(%dma_start3A_125 : memref<128xi32, #tpu.memory_space<vmem>>) semaphore(%arg12 : memref<!tpu.dma_semaphore, #tpu.memory_space<semaphore_mem>>)
    %dma_wait3A_129 = arith.constant 0 : i32
    %dma_wait3A_130 = arith.constant 0 : i32
    %dma_wait3A_131 = tpu.memref_slice %arg3[%dma_wait3A_129, %dma_wait3A_130] : memref<100000x128xf32, #tpu.memory_space<hbm>> -> memref<128x128xf32, #tpu.memory_space<hbm>>
    %dma_wait3A_132 = arith.constant 0 : i32
    %dma_wait3A_133 = arith.constant 0 : i32
    %dma_wait3A_134 = tpu.memref_slice %arg3[%dma_wait3A_132, %dma_wait3A_133] : memref<100000x128xf32, #tpu.memory_space<hbm>> -> memref<128x128xf32, #tpu.memory_space<hbm>>
    tpu.wait_dma2 semaphore(%arg16 : memref<!tpu.dma_semaphore, #tpu.memory_space<semaphore_mem>>) src(%dma_wait3A_134 : memref<128x128xf32, #tpu.memory_space<hbm>>) dst(%arg10 : memref<128x128xf32, #tpu.memory_space<vmem>>)
    %dma_start3A_135 = arith.constant 4 : i32
    %dma_start3A_136 = arith.constant 0 : i32
    %dma_start3A_137 = tpu.memref_slice %arg4[%dma_start3A_135, %mul3A_2, %dma_start3A_136] : memref<50x4096x128xf32, #tpu.memory_space<hbm>> -> memref<1x128x128xf32, #tpu.memory_space<hbm>>
    %dma_start3A_138 = tpu.memref_squeeze %dma_start3A_137 : memref<1x128x128xf32, #tpu.memory_space<hbm>> -> memref<128x128xf32, #tpu.memory_space<hbm>>
    %dma_start3A_139 = arith.constant 0 : i32
    %dma_start3A_140 = tpu.memref_slice %arg4[%dma_start3A_135, %mul3A_2, %dma_start3A_139] : memref<50x4096x128xf32, #tpu.memory_space<hbm>> -> memref<1x128x128xf32, #tpu.memory_space<hbm>>
    %dma_start3A_141 = tpu.memref_squeeze %dma_start3A_140 : memref<1x128x128xf32, #tpu.memory_space<hbm>> -> memref<128x128xf32, #tpu.memory_space<hbm>>
    tpu.enqueue_dma source(%arg10 : memref<128x128xf32, #tpu.memory_space<vmem>>) target(%dma_start3A_141 : memref<128x128xf32, #tpu.memory_space<hbm>>) target_semaphore(%arg22 : memref<!tpu.dma_semaphore, #tpu.memory_space<semaphore_mem>>)
    %dma_wait3A_142 = arith.constant 0 : i32
    %dma_wait3A_143 = arith.constant 0 : i32
    %dma_wait3A_144 = tpu.memref_slice %arg4[%dma_wait3A_142, %mul3A_2, %dma_wait3A_143] : memref<50x4096x128xf32, #tpu.memory_space<hbm>> -> memref<1x128x128xf32, #tpu.memory_space<hbm>>
    %dma_wait3A_145 = tpu.memref_squeeze %dma_wait3A_144 : memref<1x128x128xf32, #tpu.memory_space<hbm>> -> memref<128x128xf32, #tpu.memory_space<hbm>>
    %dma_wait3A_146 = arith.constant 0 : i32
    %dma_wait3A_147 = tpu.memref_slice %arg4[%dma_wait3A_142, %mul3A_2, %dma_wait3A_146] : memref<50x4096x128xf32, #tpu.memory_space<hbm>> -> memref<1x128x128xf32, #tpu.memory_space<hbm>>
    %dma_wait3A_148 = tpu.memref_squeeze %dma_wait3A_147 : memref<1x128x128xf32, #tpu.memory_space<hbm>> -> memref<128x128xf32, #tpu.memory_space<hbm>>
    tpu.wait_dma2 semaphore(%arg19 : memref<!tpu.dma_semaphore, #tpu.memory_space<semaphore_mem>>) src(%arg7 : memref<128x128xf32, #tpu.memory_space<vmem>>) dst(%dma_wait3A_148 : memref<128x128xf32, #tpu.memory_space<hbm>>)
    %dma_start3A_149 = arith.constant 7 : i32
    %dma_start3A_150 = arith.constant 0 : i32
    %dma_start3A_151 = tpu.memref_slice %arg5[%dma_start3A_149, %dma_start3A_150] : memref<50x128xi32, #tpu.memory_space<vmem>> -> memref<1x128xi32, #tpu.memory_space<vmem>>
    %dma_start3A_152 = tpu.memref_squeeze %dma_start3A_151 : memref<1x128xi32, #tpu.memory_space<vmem>> -> memref<128xi32, #tpu.memory_space<vmem>>
    %dma_start3A_153 = arith.constant 0 : i32
    %dma_start3A_154 = arith.constant 0 : i32
    %dma_start3A_155 = tpu.memref_slice %arg3[%dma_start3A_153, %dma_start3A_154] : memref<100000x128xf32, #tpu.memory_space<hbm>> -> memref<100000x128xf32, #tpu.memory_space<hbm>>
    tpu.enqueue_indirect_dma source(%dma_start3A_155 : memref<100000x128xf32, #tpu.memory_space<hbm>>) target(%arg7 : memref<128x128xf32, #tpu.memory_space<vmem>>) offsets(%dma_start3A_152 : memref<128xi32, #tpu.memory_space<vmem>>) semaphore(%arg13 : memref<!tpu.dma_semaphore, #tpu.memory_space<semaphore_mem>>)
    %dma_wait3A_156 = arith.constant 0 : i32
    %dma_wait3A_157 = arith.constant 0 : i32
    %dma_wait3A_158 = tpu.memref_slice %arg3[%dma_wait3A_156, %dma_wait3A_157] : memref<100000x128xf32, #tpu.memory_space<hbm>> -> memref<128x128xf32, #tpu.memory_space<hbm>>
    %dma_wait3A_159 = arith.constant 0 : i32
    %dma_wait3A_160 = arith.constant 0 : i32
    %dma_wait3A_161 = tpu.memref_slice %arg3[%dma_wait3A_159, %dma_wait3A_160] : memref<100000x128xf32, #tpu.memory_space<hbm>> -> memref<128x128xf32, #tpu.memory_space<hbm>>
    tpu.wait_dma2 semaphore(%arg17 : memref<!tpu.dma_semaphore, #tpu.memory_space<semaphore_mem>>) src(%dma_wait3A_161 : memref<128x128xf32, #tpu.memory_space<hbm>>) dst(%arg11 : memref<128x128xf32, #tpu.memory_space<vmem>>)
    %dma_start3A_162 = arith.constant 5 : i32
    %dma_start3A_163 = arith.constant 0 : i32
    %dma_start3A_164 = tpu.memref_slice %arg4[%dma_start3A_162, %mul3A_2, %dma_start3A_163] : memref<50x4096x128xf32, #tpu.memory_space<hbm>> -> memref<1x128x128xf32, #tpu.memory_space<hbm>>
    %dma_start3A_165 = tpu.memref_squeeze %dma_start3A_164 : memref<1x128x128xf32, #tpu.memory_space<hbm>> -> memref<128x128xf32, #tpu.memory_space<hbm>>
    %dma_start3A_166 = arith.constant 0 : i32
    %dma_start3A_167 = tpu.memref_slice %arg4[%dma_start3A_162, %mul3A_2, %dma_start3A_166] : memref<50x4096x128xf32, #tpu.memory_space<hbm>> -> memref<1x128x128xf32, #tpu.memory_space<hbm>>
    %dma_start3A_168 = tpu.memref_squeeze %dma_start3A_167 : memref<1x128x128xf32, #tpu.memory_space<hbm>> -> memref<128x128xf32, #tpu.memory_space<hbm>>
    tpu.enqueue_dma source(%arg11 : memref<128x128xf32, #tpu.memory_space<vmem>>) target(%dma_start3A_168 : memref<128x128xf32, #tpu.memory_space<hbm>>) target_semaphore(%arg23 : memref<!tpu.dma_semaphore, #tpu.memory_space<semaphore_mem>>)
    %dma_wait3A_169 = arith.constant 0 : i32
    %dma_wait3A_170 = arith.constant 0 : i32
    %dma_wait3A_171 = tpu.memref_slice %arg4[%dma_wait3A_169, %mul3A_2, %dma_wait3A_170] : memref<50x4096x128xf32, #tpu.memory_space<hbm>> -> memref<1x128x128xf32, #tpu.memory_space<hbm>>
    %dma_wait3A_172 = tpu.memref_squeeze %dma_wait3A_171 : memref<1x128x128xf32, #tpu.memory_space<hbm>> -> memref<128x128xf32, #tpu.memory_space<hbm>>
    %dma_wait3A_173 = arith.constant 0 : i32
    %dma_wait3A_174 = tpu.memref_slice %arg4[%dma_wait3A_169, %mul3A_2, %dma_wait3A_173] : memref<50x4096x128xf32, #tpu.memory_space<hbm>> -> memref<1x128x128xf32, #tpu.memory_space<hbm>>
    %dma_wait3A_175 = tpu.memref_squeeze %dma_wait3A_174 : memref<1x128x128xf32, #tpu.memory_space<hbm>> -> memref<128x128xf32, #tpu.memory_space<hbm>>
    tpu.wait_dma2 semaphore(%arg20 : memref<!tpu.dma_semaphore, #tpu.memory_space<semaphore_mem>>) src(%arg8 : memref<128x128xf32, #tpu.memory_space<vmem>>) dst(%dma_wait3A_175 : memref<128x128xf32, #tpu.memory_space<hbm>>)
    %dma_start3A_176 = arith.constant 8 : i32
    %dma_start3A_177 = arith.constant 0 : i32
    %dma_start3A_178 = tpu.memref_slice %arg5[%dma_start3A_176, %dma_start3A_177] : memref<50x128xi32, #tpu.memory_space<vmem>> -> memref<1x128xi32, #tpu.memory_space<vmem>>
    %dma_start3A_179 = tpu.memref_squeeze %dma_start3A_178 : memref<1x128xi32, #tpu.memory_space<vmem>> -> memref<128xi32, #tpu.memory_space<vmem>>
    %dma_start3A_180 = arith.constant 0 : i32
    %dma_start3A_181 = arith.constant 0 : i32
    %dma_start3A_182 = tpu.memref_slice %arg3[%dma_start3A_180, %dma_start3A_181] : memref<100000x128xf32, #tpu.memory_space<hbm>> -> memref<100000x128xf32, #tpu.memory_space<hbm>>
    tpu.enqueue_indirect_dma source(%dma_start3A_182 : memref<100000x128xf32, #tpu.memory_space<hbm>>) target(%arg8 : memref<128x128xf32, #tpu.memory_space<vmem>>) offsets(%dma_start3A_179 : memref<128xi32, #tpu.memory_space<vmem>>) semaphore(%arg14 : memref<!tpu.dma_semaphore, #tpu.memory_space<semaphore_mem>>)
    %scan3A = arith.constant 0 : i32
    %scan3A_183 = arith.constant 6 : i32
    %scan3A_184 = arith.addi %scan3A, %scan3A_183 : i32
    %scan3A_185 = arith.constant 1 : i32
    scf.for %scan3A_403 = %scan3A to %scan3A_184 step %scan3A_185  : i32 {
      %mul3A_404 = arith.constant 6 : i32
      %mul3A_405 = arith.muli %scan3A_403, %mul3A_404 : i32
      %add3A_406 = arith.constant 6 : i32
      %add3A_407 = arith.addi %add3A_406, %mul3A_405 : i32
      %add3A_408 = arith.constant 0 : i32
      %add3A_409 = arith.addi %add3A_407, %add3A_408 : i32
      %add3A_410 = arith.constant 0 : i32
      %add3A_411 = arith.addi %add3A_407, %add3A_410 : i32
      %add3A_412 = arith.constant 3 : i32
      %add3A_413 = arith.addi %add3A_411, %add3A_412 : i32
      %dma_wait3A_414 = arith.constant 0 : i32
      %dma_wait3A_415 = arith.constant 0 : i32
      %dma_wait3A_416 = tpu.memref_slice %arg3[%dma_wait3A_414, %dma_wait3A_415] : memref<100000x128xf32, #tpu.memory_space<hbm>> -> memref<128x128xf32, #tpu.memory_space<hbm>>
      %dma_wait3A_417 = arith.constant 0 : i32
      %dma_wait3A_418 = arith.constant 0 : i32
      %dma_wait3A_419 = tpu.memref_slice %arg3[%dma_wait3A_417, %dma_wait3A_418] : memref<100000x128xf32, #tpu.memory_space<hbm>> -> memref<128x128xf32, #tpu.memory_space<hbm>>
      tpu.wait_dma2 semaphore(%arg12 : memref<!tpu.dma_semaphore, #tpu.memory_space<semaphore_mem>>) src(%dma_wait3A_419 : memref<128x128xf32, #tpu.memory_space<hbm>>) dst(%arg6 : memref<128x128xf32, #tpu.memory_space<vmem>>)
      %dma_start3A_420 = arith.constant 0 : i32
      %dma_start3A_421 = tpu.memref_slice %arg4[%add3A_409, %mul3A_2, %dma_start3A_420] : memref<50x4096x128xf32, #tpu.memory_space<hbm>> -> memref<1x128x128xf32, #tpu.memory_space<hbm>>
      %dma_start3A_422 = tpu.memref_squeeze %dma_start3A_421 : memref<1x128x128xf32, #tpu.memory_space<hbm>> -> memref<128x128xf32, #tpu.memory_space<hbm>>
      %dma_start3A_423 = arith.constant 0 : i32
      %dma_start3A_424 = tpu.memref_slice %arg4[%add3A_409, %mul3A_2, %dma_start3A_423] : memref<50x4096x128xf32, #tpu.memory_space<hbm>> -> memref<1x128x128xf32, #tpu.memory_space<hbm>>
      %dma_start3A_425 = tpu.memref_squeeze %dma_start3A_424 : memref<1x128x128xf32, #tpu.memory_space<hbm>> -> memref<128x128xf32, #tpu.memory_space<hbm>>
      tpu.enqueue_dma source(%arg6 : memref<128x128xf32, #tpu.memory_space<vmem>>) target(%dma_start3A_425 : memref<128x128xf32, #tpu.memory_space<hbm>>) target_semaphore(%arg18 : memref<!tpu.dma_semaphore, #tpu.memory_space<semaphore_mem>>)
      %dma_wait3A_426 = arith.constant 0 : i32
      %dma_wait3A_427 = arith.constant 0 : i32
      %dma_wait3A_428 = tpu.memref_slice %arg4[%dma_wait3A_426, %mul3A_2, %dma_wait3A_427] : memref<50x4096x128xf32, #tpu.memory_space<hbm>> -> memref<1x128x128xf32, #tpu.memory_space<hbm>>
      %dma_wait3A_429 = tpu.memref_squeeze %dma_wait3A_428 : memref<1x128x128xf32, #tpu.memory_space<hbm>> -> memref<128x128xf32, #tpu.memory_space<hbm>>
      %dma_wait3A_430 = arith.constant 0 : i32
      %dma_wait3A_431 = tpu.memref_slice %arg4[%dma_wait3A_426, %mul3A_2, %dma_wait3A_430] : memref<50x4096x128xf32, #tpu.memory_space<hbm>> -> memref<1x128x128xf32, #tpu.memory_space<hbm>>
      %dma_wait3A_432 = tpu.memref_squeeze %dma_wait3A_431 : memref<1x128x128xf32, #tpu.memory_space<hbm>> -> memref<128x128xf32, #tpu.memory_space<hbm>>
      tpu.wait_dma2 semaphore(%arg21 : memref<!tpu.dma_semaphore, #tpu.memory_space<semaphore_mem>>) src(%arg9 : memref<128x128xf32, #tpu.memory_space<vmem>>) dst(%dma_wait3A_432 : memref<128x128xf32, #tpu.memory_space<hbm>>)
      %dma_start3A_433 = arith.constant 0 : i32
      %dma_start3A_434 = tpu.memref_slice %arg5[%add3A_413, %dma_start3A_433] : memref<50x128xi32, #tpu.memory_space<vmem>> -> memref<1x128xi32, #tpu.memory_space<vmem>>
      %dma_start3A_435 = tpu.memref_squeeze %dma_start3A_434 : memref<1x128xi32, #tpu.memory_space<vmem>> -> memref<128xi32, #tpu.memory_space<vmem>>
      %dma_start3A_436 = arith.constant 0 : i32
      %dma_start3A_437 = arith.constant 0 : i32
      %dma_start3A_438 = tpu.memref_slice %arg3[%dma_start3A_436, %dma_start3A_437] : memref<100000x128xf32, #tpu.memory_space<hbm>> -> memref<100000x128xf32, #tpu.memory_space<hbm>>
      tpu.enqueue_indirect_dma source(%dma_start3A_438 : memref<100000x128xf32, #tpu.memory_space<hbm>>) target(%arg9 : memref<128x128xf32, #tpu.memory_space<vmem>>) offsets(%dma_start3A_435 : memref<128xi32, #tpu.memory_space<vmem>>) semaphore(%arg15 : memref<!tpu.dma_semaphore, #tpu.memory_space<semaphore_mem>>)
      %add3A_439 = arith.constant 1 : i32
      %add3A_440 = arith.addi %add3A_407, %add3A_439 : i32
      %add3A_441 = arith.constant 1 : i32
      %add3A_442 = arith.addi %add3A_407, %add3A_441 : i32
      %add3A_443 = arith.constant 3 : i32
      %add3A_444 = arith.addi %add3A_442, %add3A_443 : i32
      %dma_wait3A_445 = arith.constant 0 : i32
      %dma_wait3A_446 = arith.constant 0 : i32
      %dma_wait3A_447 = tpu.memref_slice %arg3[%dma_wait3A_445, %dma_wait3A_446] : memref<100000x128xf32, #tpu.memory_space<hbm>> -> memref<128x128xf32, #tpu.memory_space<hbm>>
      %dma_wait3A_448 = arith.constant 0 : i32
      %dma_wait3A_449 = arith.constant 0 : i32
      %dma_wait3A_450 = tpu.memref_slice %arg3[%dma_wait3A_448, %dma_wait3A_449] : memref<100000x128xf32, #tpu.memory_space<hbm>> -> memref<128x128xf32, #tpu.memory_space<hbm>>
      tpu.wait_dma2 semaphore(%arg13 : memref<!tpu.dma_semaphore, #tpu.memory_space<semaphore_mem>>) src(%dma_wait3A_450 : memref<128x128xf32, #tpu.memory_space<hbm>>) dst(%arg7 : memref<128x128xf32, #tpu.memory_space<vmem>>)
      %dma_start3A_451 = arith.constant 0 : i32
      %dma_start3A_452 = tpu.memref_slice %arg4[%add3A_440, %mul3A_2, %dma_start3A_451] : memref<50x4096x128xf32, #tpu.memory_space<hbm>> -> memref<1x128x128xf32, #tpu.memory_space<hbm>>
      %dma_start3A_453 = tpu.memref_squeeze %dma_start3A_452 : memref<1x128x128xf32, #tpu.memory_space<hbm>> -> memref<128x128xf32, #tpu.memory_space<hbm>>
      %dma_start3A_454 = arith.constant 0 : i32
      %dma_start3A_455 = tpu.memref_slice %arg4[%add3A_440, %mul3A_2, %dma_start3A_454] : memref<50x4096x128xf32, #tpu.memory_space<hbm>> -> memref<1x128x128xf32, #tpu.memory_space<hbm>>
      %dma_start3A_456 = tpu.memref_squeeze %dma_start3A_455 : memref<1x128x128xf32, #tpu.memory_space<hbm>> -> memref<128x128xf32, #tpu.memory_space<hbm>>
      tpu.enqueue_dma source(%arg7 : memref<128x128xf32, #tpu.memory_space<vmem>>) target(%dma_start3A_456 : memref<128x128xf32, #tpu.memory_space<hbm>>) target_semaphore(%arg19 : memref<!tpu.dma_semaphore, #tpu.memory_space<semaphore_mem>>)
      %dma_wait3A_457 = arith.constant 0 : i32
      %dma_wait3A_458 = arith.constant 0 : i32
      %dma_wait3A_459 = tpu.memref_slice %arg4[%dma_wait3A_457, %mul3A_2, %dma_wait3A_458] : memref<50x4096x128xf32, #tpu.memory_space<hbm>> -> memref<1x128x128xf32, #tpu.memory_space<hbm>>
      %dma_wait3A_460 = tpu.memref_squeeze %dma_wait3A_459 : memref<1x128x128xf32, #tpu.memory_space<hbm>> -> memref<128x128xf32, #tpu.memory_space<hbm>>
      %dma_wait3A_461 = arith.constant 0 : i32
      %dma_wait3A_462 = tpu.memref_slice %arg4[%dma_wait3A_457, %mul3A_2, %dma_wait3A_461] : memref<50x4096x128xf32, #tpu.memory_space<hbm>> -> memref<1x128x128xf32, #tpu.memory_space<hbm>>
      %dma_wait3A_463 = tpu.memref_squeeze %dma_wait3A_462 : memref<1x128x128xf32, #tpu.memory_space<hbm>> -> memref<128x128xf32, #tpu.memory_space<hbm>>
      tpu.wait_dma2 semaphore(%arg22 : memref<!tpu.dma_semaphore, #tpu.memory_space<semaphore_mem>>) src(%arg10 : memref<128x128xf32, #tpu.memory_space<vmem>>) dst(%dma_wait3A_463 : memref<128x128xf32, #tpu.memory_space<hbm>>)
      %dma_start3A_464 = arith.constant 0 : i32
      %dma_start3A_465 = tpu.memref_slice %arg5[%add3A_444, %dma_start3A_464] : memref<50x128xi32, #tpu.memory_space<vmem>> -> memref<1x128xi32, #tpu.memory_space<vmem>>
      %dma_start3A_466 = tpu.memref_squeeze %dma_start3A_465 : memref<1x128xi32, #tpu.memory_space<vmem>> -> memref<128xi32, #tpu.memory_space<vmem>>
      %dma_start3A_467 = arith.constant 0 : i32
      %dma_start3A_468 = arith.constant 0 : i32
      %dma_start3A_469 = tpu.memref_slice %arg3[%dma_start3A_467, %dma_start3A_468] : memref<100000x128xf32, #tpu.memory_space<hbm>> -> memref<100000x128xf32, #tpu.memory_space<hbm>>
      tpu.enqueue_indirect_dma source(%dma_start3A_469 : memref<100000x128xf32, #tpu.memory_space<hbm>>) target(%arg10 : memref<128x128xf32, #tpu.memory_space<vmem>>) offsets(%dma_start3A_466 : memref<128xi32, #tpu.memory_space<vmem>>) semaphore(%arg16 : memref<!tpu.dma_semaphore, #tpu.memory_space<semaphore_mem>>)
      %add3A_470 = arith.constant 2 : i32
      %add3A_471 = arith.addi %add3A_407, %add3A_470 : i32
      %add3A_472 = arith.constant 2 : i32
      %add3A_473 = arith.addi %add3A_407, %add3A_472 : i32
      %add3A_474 = arith.constant 3 : i32
      %add3A_475 = arith.addi %add3A_473, %add3A_474 : i32
      %dma_wait3A_476 = arith.constant 0 : i32
      %dma_wait3A_477 = arith.constant 0 : i32
      %dma_wait3A_478 = tpu.memref_slice %arg3[%dma_wait3A_476, %dma_wait3A_477] : memref<100000x128xf32, #tpu.memory_space<hbm>> -> memref<128x128xf32, #tpu.memory_space<hbm>>
      %dma_wait3A_479 = arith.constant 0 : i32
      %dma_wait3A_480 = arith.constant 0 : i32
      %dma_wait3A_481 = tpu.memref_slice %arg3[%dma_wait3A_479, %dma_wait3A_480] : memref<100000x128xf32, #tpu.memory_space<hbm>> -> memref<128x128xf32, #tpu.memory_space<hbm>>
      tpu.wait_dma2 semaphore(%arg14 : memref<!tpu.dma_semaphore, #tpu.memory_space<semaphore_mem>>) src(%dma_wait3A_481 : memref<128x128xf32, #tpu.memory_space<hbm>>) dst(%arg8 : memref<128x128xf32, #tpu.memory_space<vmem>>)
      %dma_start3A_482 = arith.constant 0 : i32
      %dma_start3A_483 = tpu.memref_slice %arg4[%add3A_471, %mul3A_2, %dma_start3A_482] : memref<50x4096x128xf32, #tpu.memory_space<hbm>> -> memref<1x128x128xf32, #tpu.memory_space<hbm>>
      %dma_start3A_484 = tpu.memref_squeeze %dma_start3A_483 : memref<1x128x128xf32, #tpu.memory_space<hbm>> -> memref<128x128xf32, #tpu.memory_space<hbm>>
      %dma_start3A_485 = arith.constant 0 : i32
      %dma_start3A_486 = tpu.memref_slice %arg4[%add3A_471, %mul3A_2, %dma_start3A_485] : memref<50x4096x128xf32, #tpu.memory_space<hbm>> -> memref<1x128x128xf32, #tpu.memory_space<hbm>>
      %dma_start3A_487 = tpu.memref_squeeze %dma_start3A_486 : memref<1x128x128xf32, #tpu.memory_space<hbm>> -> memref<128x128xf32, #tpu.memory_space<hbm>>
      tpu.enqueue_dma source(%arg8 : memref<128x128xf32, #tpu.memory_space<vmem>>) target(%dma_start3A_487 : memref<128x128xf32, #tpu.memory_space<hbm>>) target_semaphore(%arg20 : memref<!tpu.dma_semaphore, #tpu.memory_space<semaphore_mem>>)
      %dma_wait3A_488 = arith.constant 0 : i32
      %dma_wait3A_489 = arith.constant 0 : i32
      %dma_wait3A_490 = tpu.memref_slice %arg4[%dma_wait3A_488, %mul3A_2, %dma_wait3A_489] : memref<50x4096x128xf32, #tpu.memory_space<hbm>> -> memref<1x128x128xf32, #tpu.memory_space<hbm>>
      %dma_wait3A_491 = tpu.memref_squeeze %dma_wait3A_490 : memref<1x128x128xf32, #tpu.memory_space<hbm>> -> memref<128x128xf32, #tpu.memory_space<hbm>>
      %dma_wait3A_492 = arith.constant 0 : i32
      %dma_wait3A_493 = tpu.memref_slice %arg4[%dma_wait3A_488, %mul3A_2, %dma_wait3A_492] : memref<50x4096x128xf32, #tpu.memory_space<hbm>> -> memref<1x128x128xf32, #tpu.memory_space<hbm>>
      %dma_wait3A_494 = tpu.memref_squeeze %dma_wait3A_493 : memref<1x128x128xf32, #tpu.memory_space<hbm>> -> memref<128x128xf32, #tpu.memory_space<hbm>>
      tpu.wait_dma2 semaphore(%arg23 : memref<!tpu.dma_semaphore, #tpu.memory_space<semaphore_mem>>) src(%arg11 : memref<128x128xf32, #tpu.memory_space<vmem>>) dst(%dma_wait3A_494 : memref<128x128xf32, #tpu.memory_space<hbm>>)
      %dma_start3A_495 = arith.constant 0 : i32
      %dma_start3A_496 = tpu.memref_slice %arg5[%add3A_475, %dma_start3A_495] : memref<50x128xi32, #tpu.memory_space<vmem>> -> memref<1x128xi32, #tpu.memory_space<vmem>>
      %dma_start3A_497 = tpu.memref_squeeze %dma_start3A_496 : memref<1x128xi32, #tpu.memory_space<vmem>> -> memref<128xi32, #tpu.memory_space<vmem>>
      %dma_start3A_498 = arith.constant 0 : i32
      %dma_start3A_499 = arith.constant 0 : i32
      %dma_start3A_500 = tpu.memref_slice %arg3[%dma_start3A_498, %dma_start3A_499] : memref<100000x128xf32, #tpu.memory_space<hbm>> -> memref<100000x128xf32, #tpu.memory_space<hbm>>
      tpu.enqueue_indirect_dma source(%dma_start3A_500 : memref<100000x128xf32, #tpu.memory_space<hbm>>) target(%arg11 : memref<128x128xf32, #tpu.memory_space<vmem>>) offsets(%dma_start3A_497 : memref<128xi32, #tpu.memory_space<vmem>>) semaphore(%arg17 : memref<!tpu.dma_semaphore, #tpu.memory_space<semaphore_mem>>)
      %add3A_501 = arith.constant 3 : i32
      %add3A_502 = arith.addi %add3A_407, %add3A_501 : i32
      %add3A_503 = arith.constant 3 : i32
      %add3A_504 = arith.addi %add3A_407, %add3A_503 : i32
      %add3A_505 = arith.constant 3 : i32
      %add3A_506 = arith.addi %add3A_504, %add3A_505 : i32
      %dma_wait3A_507 = arith.constant 0 : i32
      %dma_wait3A_508 = arith.constant 0 : i32
      %dma_wait3A_509 = tpu.memref_slice %arg3[%dma_wait3A_507, %dma_wait3A_508] : memref<100000x128xf32, #tpu.memory_space<hbm>> -> memref<128x128xf32, #tpu.memory_space<hbm>>
      %dma_wait3A_510 = arith.constant 0 : i32
      %dma_wait3A_511 = arith.constant 0 : i32
      %dma_wait3A_512 = tpu.memref_slice %arg3[%dma_wait3A_510, %dma_wait3A_511] : memref<100000x128xf32, #tpu.memory_space<hbm>> -> memref<128x128xf32, #tpu.memory_space<hbm>>
      tpu.wait_dma2 semaphore(%arg15 : memref<!tpu.dma_semaphore, #tpu.memory_space<semaphore_mem>>) src(%dma_wait3A_512 : memref<128x128xf32, #tpu.memory_space<hbm>>) dst(%arg9 : memref<128x128xf32, #tpu.memory_space<vmem>>)
      %dma_start3A_513 = arith.constant 0 : i32
      %dma_start3A_514 = tpu.memref_slice %arg4[%add3A_502, %mul3A_2, %dma_start3A_513] : memref<50x4096x128xf32, #tpu.memory_space<hbm>> -> memref<1x128x128xf32, #tpu.memory_space<hbm>>
      %dma_start3A_515 = tpu.memref_squeeze %dma_start3A_514 : memref<1x128x128xf32, #tpu.memory_space<hbm>> -> memref<128x128xf32, #tpu.memory_space<hbm>>
      %dma_start3A_516 = arith.constant 0 : i32
      %dma_start3A_517 = tpu.memref_slice %arg4[%add3A_502, %mul3A_2, %dma_start3A_516] : memref<50x4096x128xf32, #tpu.memory_space<hbm>> -> memref<1x128x128xf32, #tpu.memory_space<hbm>>
      %dma_start3A_518 = tpu.memref_squeeze %dma_start3A_517 : memref<1x128x128xf32, #tpu.memory_space<hbm>> -> memref<128x128xf32, #tpu.memory_space<hbm>>
      tpu.enqueue_dma source(%arg9 : memref<128x128xf32, #tpu.memory_space<vmem>>) target(%dma_start3A_518 : memref<128x128xf32, #tpu.memory_space<hbm>>) target_semaphore(%arg21 : memref<!tpu.dma_semaphore, #tpu.memory_space<semaphore_mem>>)
      %dma_wait3A_519 = arith.constant 0 : i32
      %dma_wait3A_520 = arith.constant 0 : i32
      %dma_wait3A_521 = tpu.memref_slice %arg4[%dma_wait3A_519, %mul3A_2, %dma_wait3A_520] : memref<50x4096x128xf32, #tpu.memory_space<hbm>> -> memref<1x128x128xf32, #tpu.memory_space<hbm>>
      %dma_wait3A_522 = tpu.memref_squeeze %dma_wait3A_521 : memref<1x128x128xf32, #tpu.memory_space<hbm>> -> memref<128x128xf32, #tpu.memory_space<hbm>>
      %dma_wait3A_523 = arith.constant 0 : i32
      %dma_wait3A_524 = tpu.memref_slice %arg4[%dma_wait3A_519, %mul3A_2, %dma_wait3A_523] : memref<50x4096x128xf32, #tpu.memory_space<hbm>> -> memref<1x128x128xf32, #tpu.memory_space<hbm>>
      %dma_wait3A_525 = tpu.memref_squeeze %dma_wait3A_524 : memref<1x128x128xf32, #tpu.memory_space<hbm>> -> memref<128x128xf32, #tpu.memory_space<hbm>>
      tpu.wait_dma2 semaphore(%arg18 : memref<!tpu.dma_semaphore, #tpu.memory_space<semaphore_mem>>) src(%arg6 : memref<128x128xf32, #tpu.memory_space<vmem>>) dst(%dma_wait3A_525 : memref<128x128xf32, #tpu.memory_space<hbm>>)
      %dma_start3A_526 = arith.constant 0 : i32
      %dma_start3A_527 = tpu.memref_slice %arg5[%add3A_506, %dma_start3A_526] : memref<50x128xi32, #tpu.memory_space<vmem>> -> memref<1x128xi32, #tpu.memory_space<vmem>>
      %dma_start3A_528 = tpu.memref_squeeze %dma_start3A_527 : memref<1x128xi32, #tpu.memory_space<vmem>> -> memref<128xi32, #tpu.memory_space<vmem>>
      %dma_start3A_529 = arith.constant 0 : i32
      %dma_start3A_530 = arith.constant 0 : i32
      %dma_start3A_531 = tpu.memref_slice %arg3[%dma_start3A_529, %dma_start3A_530] : memref<100000x128xf32, #tpu.memory_space<hbm>> -> memref<100000x128xf32, #tpu.memory_space<hbm>>
      tpu.enqueue_indirect_dma source(%dma_start3A_531 : memref<100000x128xf32, #tpu.memory_space<hbm>>) target(%arg6 : memref<128x128xf32, #tpu.memory_space<vmem>>) offsets(%dma_start3A_528 : memref<128xi32, #tpu.memory_space<vmem>>) semaphore(%arg12 : memref<!tpu.dma_semaphore, #tpu.memory_space<semaphore_mem>>)
      %add3A_532 = arith.constant 4 : i32
      %add3A_533 = arith.addi %add3A_407, %add3A_532 : i32
      %add3A_534 = arith.constant 4 : i32
      %add3A_535 = arith.addi %add3A_407, %add3A_534 : i32
      %add3A_536 = arith.constant 3 : i32
      %add3A_537 = arith.addi %add3A_535, %add3A_536 : i32
      %dma_wait3A_538 = arith.constant 0 : i32
      %dma_wait3A_539 = arith.constant 0 : i32
      %dma_wait3A_540 = tpu.memref_slice %arg3[%dma_wait3A_538, %dma_wait3A_539] : memref<100000x128xf32, #tpu.memory_space<hbm>> -> memref<128x128xf32, #tpu.memory_space<hbm>>
      %dma_wait3A_541 = arith.constant 0 : i32
      %dma_wait3A_542 = arith.constant 0 : i32
      %dma_wait3A_543 = tpu.memref_slice %arg3[%dma_wait3A_541, %dma_wait3A_542] : memref<100000x128xf32, #tpu.memory_space<hbm>> -> memref<128x128xf32, #tpu.memory_space<hbm>>
      tpu.wait_dma2 semaphore(%arg16 : memref<!tpu.dma_semaphore, #tpu.memory_space<semaphore_mem>>) src(%dma_wait3A_543 : memref<128x128xf32, #tpu.memory_space<hbm>>) dst(%arg10 : memref<128x128xf32, #tpu.memory_space<vmem>>)
      %dma_start3A_544 = arith.constant 0 : i32
      %dma_start3A_545 = tpu.memref_slice %arg4[%add3A_533, %mul3A_2, %dma_start3A_544] : memref<50x4096x128xf32, #tpu.memory_space<hbm>> -> memref<1x128x128xf32, #tpu.memory_space<hbm>>
      %dma_start3A_546 = tpu.memref_squeeze %dma_start3A_545 : memref<1x128x128xf32, #tpu.memory_space<hbm>> -> memref<128x128xf32, #tpu.memory_space<hbm>>
      %dma_start3A_547 = arith.constant 0 : i32
      %dma_start3A_548 = tpu.memref_slice %arg4[%add3A_533, %mul3A_2, %dma_start3A_547] : memref<50x4096x128xf32, #tpu.memory_space<hbm>> -> memref<1x128x128xf32, #tpu.memory_space<hbm>>
      %dma_start3A_549 = tpu.memref_squeeze %dma_start3A_548 : memref<1x128x128xf32, #tpu.memory_space<hbm>> -> memref<128x128xf32, #tpu.memory_space<hbm>>
      tpu.enqueue_dma source(%arg10 : memref<128x128xf32, #tpu.memory_space<vmem>>) target(%dma_start3A_549 : memref<128x128xf32, #tpu.memory_space<hbm>>) target_semaphore(%arg22 : memref<!tpu.dma_semaphore, #tpu.memory_space<semaphore_mem>>)
      %dma_wait3A_550 = arith.constant 0 : i32
      %dma_wait3A_551 = arith.constant 0 : i32
      %dma_wait3A_552 = tpu.memref_slice %arg4[%dma_wait3A_550, %mul3A_2, %dma_wait3A_551] : memref<50x4096x128xf32, #tpu.memory_space<hbm>> -> memref<1x128x128xf32, #tpu.memory_space<hbm>>
      %dma_wait3A_553 = tpu.memref_squeeze %dma_wait3A_552 : memref<1x128x128xf32, #tpu.memory_space<hbm>> -> memref<128x128xf32, #tpu.memory_space<hbm>>
      %dma_wait3A_554 = arith.constant 0 : i32
      %dma_wait3A_555 = tpu.memref_slice %arg4[%dma_wait3A_550, %mul3A_2, %dma_wait3A_554] : memref<50x4096x128xf32, #tpu.memory_space<hbm>> -> memref<1x128x128xf32, #tpu.memory_space<hbm>>
      %dma_wait3A_556 = tpu.memref_squeeze %dma_wait3A_555 : memref<1x128x128xf32, #tpu.memory_space<hbm>> -> memref<128x128xf32, #tpu.memory_space<hbm>>
      tpu.wait_dma2 semaphore(%arg19 : memref<!tpu.dma_semaphore, #tpu.memory_space<semaphore_mem>>) src(%arg7 : memref<128x128xf32, #tpu.memory_space<vmem>>) dst(%dma_wait3A_556 : memref<128x128xf32, #tpu.memory_space<hbm>>)
      %dma_start3A_557 = arith.constant 0 : i32
      %dma_start3A_558 = tpu.memref_slice %arg5[%add3A_537, %dma_start3A_557] : memref<50x128xi32, #tpu.memory_space<vmem>> -> memref<1x128xi32, #tpu.memory_space<vmem>>
      %dma_start3A_559 = tpu.memref_squeeze %dma_start3A_558 : memref<1x128xi32, #tpu.memory_space<vmem>> -> memref<128xi32, #tpu.memory_space<vmem>>
      %dma_start3A_560 = arith.constant 0 : i32
      %dma_start3A_561 = arith.constant 0 : i32
      %dma_start3A_562 = tpu.memref_slice %arg3[%dma_start3A_560, %dma_start3A_561] : memref<100000x128xf32, #tpu.memory_space<hbm>> -> memref<100000x128xf32, #tpu.memory_space<hbm>>
      tpu.enqueue_indirect_dma source(%dma_start3A_562 : memref<100000x128xf32, #tpu.memory_space<hbm>>) target(%arg7 : memref<128x128xf32, #tpu.memory_space<vmem>>) offsets(%dma_start3A_559 : memref<128xi32, #tpu.memory_space<vmem>>) semaphore(%arg13 : memref<!tpu.dma_semaphore, #tpu.memory_space<semaphore_mem>>)
      %add3A_563 = arith.constant 5 : i32
      %add3A_564 = arith.addi %add3A_407, %add3A_563 : i32
      %add3A_565 = arith.constant 5 : i32
      %add3A_566 = arith.addi %add3A_407, %add3A_565 : i32
      %add3A_567 = arith.constant 3 : i32
      %add3A_568 = arith.addi %add3A_566, %add3A_567 : i32
      %dma_wait3A_569 = arith.constant 0 : i32
      %dma_wait3A_570 = arith.constant 0 : i32
      %dma_wait3A_571 = tpu.memref_slice %arg3[%dma_wait3A_569, %dma_wait3A_570] : memref<100000x128xf32, #tpu.memory_space<hbm>> -> memref<128x128xf32, #tpu.memory_space<hbm>>
      %dma_wait3A_572 = arith.constant 0 : i32
      %dma_wait3A_573 = arith.constant 0 : i32
      %dma_wait3A_574 = tpu.memref_slice %arg3[%dma_wait3A_572, %dma_wait3A_573] : memref<100000x128xf32, #tpu.memory_space<hbm>> -> memref<128x128xf32, #tpu.memory_space<hbm>>
      tpu.wait_dma2 semaphore(%arg17 : memref<!tpu.dma_semaphore, #tpu.memory_space<semaphore_mem>>) src(%dma_wait3A_574 : memref<128x128xf32, #tpu.memory_space<hbm>>) dst(%arg11 : memref<128x128xf32, #tpu.memory_space<vmem>>)
      %dma_start3A_575 = arith.constant 0 : i32
      %dma_start3A_576 = tpu.memref_slice %arg4[%add3A_564, %mul3A_2, %dma_start3A_575] : memref<50x4096x128xf32, #tpu.memory_space<hbm>> -> memref<1x128x128xf32, #tpu.memory_space<hbm>>
      %dma_start3A_577 = tpu.memref_squeeze %dma_start3A_576 : memref<1x128x128xf32, #tpu.memory_space<hbm>> -> memref<128x128xf32, #tpu.memory_space<hbm>>
      %dma_start3A_578 = arith.constant 0 : i32
      %dma_start3A_579 = tpu.memref_slice %arg4[%add3A_564, %mul3A_2, %dma_start3A_578] : memref<50x4096x128xf32, #tpu.memory_space<hbm>> -> memref<1x128x128xf32, #tpu.memory_space<hbm>>
      %dma_start3A_580 = tpu.memref_squeeze %dma_start3A_579 : memref<1x128x128xf32, #tpu.memory_space<hbm>> -> memref<128x128xf32, #tpu.memory_space<hbm>>
      tpu.enqueue_dma source(%arg11 : memref<128x128xf32, #tpu.memory_space<vmem>>) target(%dma_start3A_580 : memref<128x128xf32, #tpu.memory_space<hbm>>) target_semaphore(%arg23 : memref<!tpu.dma_semaphore, #tpu.memory_space<semaphore_mem>>)
      %dma_wait3A_581 = arith.constant 0 : i32
      %dma_wait3A_582 = arith.constant 0 : i32
      %dma_wait3A_583 = tpu.memref_slice %arg4[%dma_wait3A_581, %mul3A_2, %dma_wait3A_582] : memref<50x4096x128xf32, #tpu.memory_space<hbm>> -> memref<1x128x128xf32, #tpu.memory_space<hbm>>
      %dma_wait3A_584 = tpu.memref_squeeze %dma_wait3A_583 : memref<1x128x128xf32, #tpu.memory_space<hbm>> -> memref<128x128xf32, #tpu.memory_space<hbm>>
      %dma_wait3A_585 = arith.constant 0 : i32
      %dma_wait3A_586 = tpu.memref_slice %arg4[%dma_wait3A_581, %mul3A_2, %dma_wait3A_585] : memref<50x4096x128xf32, #tpu.memory_space<hbm>> -> memref<1x128x128xf32, #tpu.memory_space<hbm>>
      %dma_wait3A_587 = tpu.memref_squeeze %dma_wait3A_586 : memref<1x128x128xf32, #tpu.memory_space<hbm>> -> memref<128x128xf32, #tpu.memory_space<hbm>>
      tpu.wait_dma2 semaphore(%arg20 : memref<!tpu.dma_semaphore, #tpu.memory_space<semaphore_mem>>) src(%arg8 : memref<128x128xf32, #tpu.memory_space<vmem>>) dst(%dma_wait3A_587 : memref<128x128xf32, #tpu.memory_space<hbm>>)
      %dma_start3A_588 = arith.constant 0 : i32
      %dma_start3A_589 = tpu.memref_slice %arg5[%add3A_568, %dma_start3A_588] : memref<50x128xi32, #tpu.memory_space<vmem>> -> memref<1x128xi32, #tpu.memory_space<vmem>>
      %dma_start3A_590 = tpu.memref_squeeze %dma_start3A_589 : memref<1x128xi32, #tpu.memory_space<vmem>> -> memref<128xi32, #tpu.memory_space<vmem>>
      %dma_start3A_591 = arith.constant 0 : i32
      %dma_start3A_592 = arith.constant 0 : i32
      %dma_start3A_593 = tpu.memref_slice %arg3[%dma_start3A_591, %dma_start3A_592] : memref<100000x128xf32, #tpu.memory_space<hbm>> -> memref<100000x128xf32, #tpu.memory_space<hbm>>
      tpu.enqueue_indirect_dma source(%dma_start3A_593 : memref<100000x128xf32, #tpu.memory_space<hbm>>) target(%arg8 : memref<128x128xf32, #tpu.memory_space<vmem>>) offsets(%dma_start3A_590 : memref<128xi32, #tpu.memory_space<vmem>>) semaphore(%arg14 : memref<!tpu.dma_semaphore, #tpu.memory_space<semaphore_mem>>)
    }
    %scan3A_186 = arith.constant 6 : i32
    %dma_wait3A_187 = arith.constant 0 : i32
    %dma_wait3A_188 = arith.constant 0 : i32
    %dma_wait3A_189 = tpu.memref_slice %arg3[%dma_wait3A_187, %dma_wait3A_188] : memref<100000x128xf32, #tpu.memory_space<hbm>> -> memref<128x128xf32, #tpu.memory_space<hbm>>
    %dma_wait3A_190 = arith.constant 0 : i32
    %dma_wait3A_191 = arith.constant 0 : i32
    %dma_wait3A_192 = tpu.memref_slice %arg3[%dma_wait3A_190, %dma_wait3A_191] : memref<100000x128xf32, #tpu.memory_space<hbm>> -> memref<128x128xf32, #tpu.memory_space<hbm>>
    tpu.wait_dma2 semaphore(%arg12 : memref<!tpu.dma_semaphore, #tpu.memory_space<semaphore_mem>>) src(%dma_wait3A_192 : memref<128x128xf32, #tpu.memory_space<hbm>>) dst(%arg6 : memref<128x128xf32, #tpu.memory_space<vmem>>)
    %dma_start3A_193 = arith.constant 42 : i32
    %dma_start3A_194 = arith.constant 0 : i32
    %dma_start3A_195 = tpu.memref_slice %arg4[%dma_start3A_193, %mul3A_2, %dma_start3A_194] : memref<50x4096x128xf32, #tpu.memory_space<hbm>> -> memref<1x128x128xf32, #tpu.memory_space<hbm>>
    %dma_start3A_196 = tpu.memref_squeeze %dma_start3A_195 : memref<1x128x128xf32, #tpu.memory_space<hbm>> -> memref<128x128xf32, #tpu.memory_space<hbm>>
    %dma_start3A_197 = arith.constant 0 : i32
    %dma_start3A_198 = tpu.memref_slice %arg4[%dma_start3A_193, %mul3A_2, %dma_start3A_197] : memref<50x4096x128xf32, #tpu.memory_space<hbm>> -> memref<1x128x128xf32, #tpu.memory_space<hbm>>
    %dma_start3A_199 = tpu.memref_squeeze %dma_start3A_198 : memref<1x128x128xf32, #tpu.memory_space<hbm>> -> memref<128x128xf32, #tpu.memory_space<hbm>>
    tpu.enqueue_dma source(%arg6 : memref<128x128xf32, #tpu.memory_space<vmem>>) target(%dma_start3A_199 : memref<128x128xf32, #tpu.memory_space<hbm>>) target_semaphore(%arg18 : memref<!tpu.dma_semaphore, #tpu.memory_space<semaphore_mem>>)
    %dma_wait3A_200 = arith.constant 0 : i32
    %dma_wait3A_201 = arith.constant 0 : i32
    %dma_wait3A_202 = tpu.memref_slice %arg4[%dma_wait3A_200, %mul3A_2, %dma_wait3A_201] : memref<50x4096x128xf32, #tpu.memory_space<hbm>> -> memref<1x128x128xf32, #tpu.memory_space<hbm>>
    %dma_wait3A_203 = tpu.memref_squeeze %dma_wait3A_202 : memref<1x128x128xf32, #tpu.memory_space<hbm>> -> memref<128x128xf32, #tpu.memory_space<hbm>>
    %dma_wait3A_204 = arith.constant 0 : i32
    %dma_wait3A_205 = tpu.memref_slice %arg4[%dma_wait3A_200, %mul3A_2, %dma_wait3A_204] : memref<50x4096x128xf32, #tpu.memory_space<hbm>> -> memref<1x128x128xf32, #tpu.memory_space<hbm>>
    %dma_wait3A_206 = tpu.memref_squeeze %dma_wait3A_205 : memref<1x128x128xf32, #tpu.memory_space<hbm>> -> memref<128x128xf32, #tpu.memory_space<hbm>>
    tpu.wait_dma2 semaphore(%arg21 : memref<!tpu.dma_semaphore, #tpu.memory_space<semaphore_mem>>) src(%arg9 : memref<128x128xf32, #tpu.memory_space<vmem>>) dst(%dma_wait3A_206 : memref<128x128xf32, #tpu.memory_space<hbm>>)
    %dma_start3A_207 = arith.constant 45 : i32
    %dma_start3A_208 = arith.constant 0 : i32
    %dma_start3A_209 = tpu.memref_slice %arg5[%dma_start3A_207, %dma_start3A_208] : memref<50x128xi32, #tpu.memory_space<vmem>> -> memref<1x128xi32, #tpu.memory_space<vmem>>
    %dma_start3A_210 = tpu.memref_squeeze %dma_start3A_209 : memref<1x128xi32, #tpu.memory_space<vmem>> -> memref<128xi32, #tpu.memory_space<vmem>>
    %dma_start3A_211 = arith.constant 0 : i32
    %dma_start3A_212 = arith.constant 0 : i32
    %dma_start3A_213 = tpu.memref_slice %arg3[%dma_start3A_211, %dma_start3A_212] : memref<100000x128xf32, #tpu.memory_space<hbm>> -> memref<100000x128xf32, #tpu.memory_space<hbm>>
    tpu.enqueue_indirect_dma source(%dma_start3A_213 : memref<100000x128xf32, #tpu.memory_space<hbm>>) target(%arg9 : memref<128x128xf32, #tpu.memory_space<vmem>>) offsets(%dma_start3A_210 : memref<128xi32, #tpu.memory_space<vmem>>) semaphore(%arg15 : memref<!tpu.dma_semaphore, #tpu.memory_space<semaphore_mem>>)
    %dma_wait3A_214 = arith.constant 0 : i32
    %dma_wait3A_215 = arith.constant 0 : i32
    %dma_wait3A_216 = tpu.memref_slice %arg3[%dma_wait3A_214, %dma_wait3A_215] : memref<100000x128xf32, #tpu.memory_space<hbm>> -> memref<128x128xf32, #tpu.memory_space<hbm>>
    %dma_wait3A_217 = arith.constant 0 : i32
    %dma_wait3A_218 = arith.constant 0 : i32
    %dma_wait3A_219 = tpu.memref_slice %arg3[%dma_wait3A_217, %dma_wait3A_218] : memref<100000x128xf32, #tpu.memory_space<hbm>> -> memref<128x128xf32, #tpu.memory_space<hbm>>
    tpu.wait_dma2 semaphore(%arg13 : memref<!tpu.dma_semaphore, #tpu.memory_space<semaphore_mem>>) src(%dma_wait3A_219 : memref<128x128xf32, #tpu.memory_space<hbm>>) dst(%arg7 : memref<128x128xf32, #tpu.memory_space<vmem>>)
    %dma_start3A_220 = arith.constant 43 : i32
    %dma_start3A_221 = arith.constant 0 : i32
    %dma_start3A_222 = tpu.memref_slice %arg4[%dma_start3A_220, %mul3A_2, %dma_start3A_221] : memref<50x4096x128xf32, #tpu.memory_space<hbm>> -> memref<1x128x128xf32, #tpu.memory_space<hbm>>
    %dma_start3A_223 = tpu.memref_squeeze %dma_start3A_222 : memref<1x128x128xf32, #tpu.memory_space<hbm>> -> memref<128x128xf32, #tpu.memory_space<hbm>>
    %dma_start3A_224 = arith.constant 0 : i32
    %dma_start3A_225 = tpu.memref_slice %arg4[%dma_start3A_220, %mul3A_2, %dma_start3A_224] : memref<50x4096x128xf32, #tpu.memory_space<hbm>> -> memref<1x128x128xf32, #tpu.memory_space<hbm>>
    %dma_start3A_226 = tpu.memref_squeeze %dma_start3A_225 : memref<1x128x128xf32, #tpu.memory_space<hbm>> -> memref<128x128xf32, #tpu.memory_space<hbm>>
    tpu.enqueue_dma source(%arg7 : memref<128x128xf32, #tpu.memory_space<vmem>>) target(%dma_start3A_226 : memref<128x128xf32, #tpu.memory_space<hbm>>) target_semaphore(%arg19 : memref<!tpu.dma_semaphore, #tpu.memory_space<semaphore_mem>>)
    %dma_wait3A_227 = arith.constant 0 : i32
    %dma_wait3A_228 = arith.constant 0 : i32
    %dma_wait3A_229 = tpu.memref_slice %arg4[%dma_wait3A_227, %mul3A_2, %dma_wait3A_228] : memref<50x4096x128xf32, #tpu.memory_space<hbm>> -> memref<1x128x128xf32, #tpu.memory_space<hbm>>
    %dma_wait3A_230 = tpu.memref_squeeze %dma_wait3A_229 : memref<1x128x128xf32, #tpu.memory_space<hbm>> -> memref<128x128xf32, #tpu.memory_space<hbm>>
    %dma_wait3A_231 = arith.constant 0 : i32
    %dma_wait3A_232 = tpu.memref_slice %arg4[%dma_wait3A_227, %mul3A_2, %dma_wait3A_231] : memref<50x4096x128xf32, #tpu.memory_space<hbm>> -> memref<1x128x128xf32, #tpu.memory_space<hbm>>
    %dma_wait3A_233 = tpu.memref_squeeze %dma_wait3A_232 : memref<1x128x128xf32, #tpu.memory_space<hbm>> -> memref<128x128xf32, #tpu.memory_space<hbm>>
    tpu.wait_dma2 semaphore(%arg22 : memref<!tpu.dma_semaphore, #tpu.memory_space<semaphore_mem>>) src(%arg10 : memref<128x128xf32, #tpu.memory_space<vmem>>) dst(%dma_wait3A_233 : memref<128x128xf32, #tpu.memory_space<hbm>>)
    %dma_start3A_234 = arith.constant 46 : i32
    %dma_start3A_235 = arith.constant 0 : i32
    %dma_start3A_236 = tpu.memref_slice %arg5[%dma_start3A_234, %dma_start3A_235] : memref<50x128xi32, #tpu.memory_space<vmem>> -> memref<1x128xi32, #tpu.memory_space<vmem>>
    %dma_start3A_237 = tpu.memref_squeeze %dma_start3A_236 : memref<1x128xi32, #tpu.memory_space<vmem>> -> memref<128xi32, #tpu.memory_space<vmem>>
    %dma_start3A_238 = arith.constant 0 : i32
    %dma_start3A_239 = arith.constant 0 : i32
    %dma_start3A_240 = tpu.memref_slice %arg3[%dma_start3A_238, %dma_start3A_239] : memref<100000x128xf32, #tpu.memory_space<hbm>> -> memref<100000x128xf32, #tpu.memory_space<hbm>>
    tpu.enqueue_indirect_dma source(%dma_start3A_240 : memref<100000x128xf32, #tpu.memory_space<hbm>>) target(%arg10 : memref<128x128xf32, #tpu.memory_space<vmem>>) offsets(%dma_start3A_237 : memref<128xi32, #tpu.memory_space<vmem>>) semaphore(%arg16 : memref<!tpu.dma_semaphore, #tpu.memory_space<semaphore_mem>>)
    %dma_wait3A_241 = arith.constant 0 : i32
    %dma_wait3A_242 = arith.constant 0 : i32
    %dma_wait3A_243 = tpu.memref_slice %arg3[%dma_wait3A_241, %dma_wait3A_242] : memref<100000x128xf32, #tpu.memory_space<hbm>> -> memref<128x128xf32, #tpu.memory_space<hbm>>
    %dma_wait3A_244 = arith.constant 0 : i32
    %dma_wait3A_245 = arith.constant 0 : i32
    %dma_wait3A_246 = tpu.memref_slice %arg3[%dma_wait3A_244, %dma_wait3A_245] : memref<100000x128xf32, #tpu.memory_space<hbm>> -> memref<128x128xf32, #tpu.memory_space<hbm>>
    tpu.wait_dma2 semaphore(%arg14 : memref<!tpu.dma_semaphore, #tpu.memory_space<semaphore_mem>>) src(%dma_wait3A_246 : memref<128x128xf32, #tpu.memory_space<hbm>>) dst(%arg8 : memref<128x128xf32, #tpu.memory_space<vmem>>)
    %dma_start3A_247 = arith.constant 44 : i32
    %dma_start3A_248 = arith.constant 0 : i32
    %dma_start3A_249 = tpu.memref_slice %arg4[%dma_start3A_247, %mul3A_2, %dma_start3A_248] : memref<50x4096x128xf32, #tpu.memory_space<hbm>> -> memref<1x128x128xf32, #tpu.memory_space<hbm>>
    %dma_start3A_250 = tpu.memref_squeeze %dma_start3A_249 : memref<1x128x128xf32, #tpu.memory_space<hbm>> -> memref<128x128xf32, #tpu.memory_space<hbm>>
    %dma_start3A_251 = arith.constant 0 : i32
    %dma_start3A_252 = tpu.memref_slice %arg4[%dma_start3A_247, %mul3A_2, %dma_start3A_251] : memref<50x4096x128xf32, #tpu.memory_space<hbm>> -> memref<1x128x128xf32, #tpu.memory_space<hbm>>
    %dma_start3A_253 = tpu.memref_squeeze %dma_start3A_252 : memref<1x128x128xf32, #tpu.memory_space<hbm>> -> memref<128x128xf32, #tpu.memory_space<hbm>>
    tpu.enqueue_dma source(%arg8 : memref<128x128xf32, #tpu.memory_space<vmem>>) target(%dma_start3A_253 : memref<128x128xf32, #tpu.memory_space<hbm>>) target_semaphore(%arg20 : memref<!tpu.dma_semaphore, #tpu.memory_space<semaphore_mem>>)
    %dma_wait3A_254 = arith.constant 0 : i32
    %dma_wait3A_255 = arith.constant 0 : i32
    %dma_wait3A_256 = tpu.memref_slice %arg4[%dma_wait3A_254, %mul3A_2, %dma_wait3A_255] : memref<50x4096x128xf32, #tpu.memory_space<hbm>> -> memref<1x128x128xf32, #tpu.memory_space<hbm>>
    %dma_wait3A_257 = tpu.memref_squeeze %dma_wait3A_256 : memref<1x128x128xf32, #tpu.memory_space<hbm>> -> memref<128x128xf32, #tpu.memory_space<hbm>>
    %dma_wait3A_258 = arith.constant 0 : i32
    %dma_wait3A_259 = tpu.memref_slice %arg4[%dma_wait3A_254, %mul3A_2, %dma_wait3A_258] : memref<50x4096x128xf32, #tpu.memory_space<hbm>> -> memref<1x128x128xf32, #tpu.memory_space<hbm>>
    %dma_wait3A_260 = tpu.memref_squeeze %dma_wait3A_259 : memref<1x128x128xf32, #tpu.memory_space<hbm>> -> memref<128x128xf32, #tpu.memory_space<hbm>>
    tpu.wait_dma2 semaphore(%arg23 : memref<!tpu.dma_semaphore, #tpu.memory_space<semaphore_mem>>) src(%arg11 : memref<128x128xf32, #tpu.memory_space<vmem>>) dst(%dma_wait3A_260 : memref<128x128xf32, #tpu.memory_space<hbm>>)
    %dma_start3A_261 = arith.constant 47 : i32
    %dma_start3A_262 = arith.constant 0 : i32
    %dma_start3A_263 = tpu.memref_slice %arg5[%dma_start3A_261, %dma_start3A_262] : memref<50x128xi32, #tpu.memory_space<vmem>> -> memref<1x128xi32, #tpu.memory_space<vmem>>
    %dma_start3A_264 = tpu.memref_squeeze %dma_start3A_263 : memref<1x128xi32, #tpu.memory_space<vmem>> -> memref<128xi32, #tpu.memory_space<vmem>>
    %dma_start3A_265 = arith.constant 0 : i32
    %dma_start3A_266 = arith.constant 0 : i32
    %dma_start3A_267 = tpu.memref_slice %arg3[%dma_start3A_265, %dma_start3A_266] : memref<100000x128xf32, #tpu.memory_space<hbm>> -> memref<100000x128xf32, #tpu.memory_space<hbm>>
    tpu.enqueue_indirect_dma source(%dma_start3A_267 : memref<100000x128xf32, #tpu.memory_space<hbm>>) target(%arg11 : memref<128x128xf32, #tpu.memory_space<vmem>>) offsets(%dma_start3A_264 : memref<128xi32, #tpu.memory_space<vmem>>) semaphore(%arg17 : memref<!tpu.dma_semaphore, #tpu.memory_space<semaphore_mem>>)
    %dma_wait3A_268 = arith.constant 0 : i32
    %dma_wait3A_269 = arith.constant 0 : i32
    %dma_wait3A_270 = tpu.memref_slice %arg3[%dma_wait3A_268, %dma_wait3A_269] : memref<100000x128xf32, #tpu.memory_space<hbm>> -> memref<128x128xf32, #tpu.memory_space<hbm>>
    %dma_wait3A_271 = arith.constant 0 : i32
    %dma_wait3A_272 = arith.constant 0 : i32
    %dma_wait3A_273 = tpu.memref_slice %arg3[%dma_wait3A_271, %dma_wait3A_272] : memref<100000x128xf32, #tpu.memory_space<hbm>> -> memref<128x128xf32, #tpu.memory_space<hbm>>
    tpu.wait_dma2 semaphore(%arg15 : memref<!tpu.dma_semaphore, #tpu.memory_space<semaphore_mem>>) src(%dma_wait3A_273 : memref<128x128xf32, #tpu.memory_space<hbm>>) dst(%arg9 : memref<128x128xf32, #tpu.memory_space<vmem>>)
    %dma_start3A_274 = arith.constant 45 : i32
    %dma_start3A_275 = arith.constant 0 : i32
    %dma_start3A_276 = tpu.memref_slice %arg4[%dma_start3A_274, %mul3A_2, %dma_start3A_275] : memref<50x4096x128xf32, #tpu.memory_space<hbm>> -> memref<1x128x128xf32, #tpu.memory_space<hbm>>
    %dma_start3A_277 = tpu.memref_squeeze %dma_start3A_276 : memref<1x128x128xf32, #tpu.memory_space<hbm>> -> memref<128x128xf32, #tpu.memory_space<hbm>>
    %dma_start3A_278 = arith.constant 0 : i32
    %dma_start3A_279 = tpu.memref_slice %arg4[%dma_start3A_274, %mul3A_2, %dma_start3A_278] : memref<50x4096x128xf32, #tpu.memory_space<hbm>> -> memref<1x128x128xf32, #tpu.memory_space<hbm>>
    %dma_start3A_280 = tpu.memref_squeeze %dma_start3A_279 : memref<1x128x128xf32, #tpu.memory_space<hbm>> -> memref<128x128xf32, #tpu.memory_space<hbm>>
    tpu.enqueue_dma source(%arg9 : memref<128x128xf32, #tpu.memory_space<vmem>>) target(%dma_start3A_280 : memref<128x128xf32, #tpu.memory_space<hbm>>) target_semaphore(%arg21 : memref<!tpu.dma_semaphore, #tpu.memory_space<semaphore_mem>>)
    %dma_wait3A_281 = arith.constant 0 : i32
    %dma_wait3A_282 = arith.constant 0 : i32
    %dma_wait3A_283 = tpu.memref_slice %arg4[%dma_wait3A_281, %mul3A_2, %dma_wait3A_282] : memref<50x4096x128xf32, #tpu.memory_space<hbm>> -> memref<1x128x128xf32, #tpu.memory_space<hbm>>
    %dma_wait3A_284 = tpu.memref_squeeze %dma_wait3A_283 : memref<1x128x128xf32, #tpu.memory_space<hbm>> -> memref<128x128xf32, #tpu.memory_space<hbm>>
    %dma_wait3A_285 = arith.constant 0 : i32
    %dma_wait3A_286 = tpu.memref_slice %arg4[%dma_wait3A_281, %mul3A_2, %dma_wait3A_285] : memref<50x4096x128xf32, #tpu.memory_space<hbm>> -> memref<1x128x128xf32, #tpu.memory_space<hbm>>
    %dma_wait3A_287 = tpu.memref_squeeze %dma_wait3A_286 : memref<1x128x128xf32, #tpu.memory_space<hbm>> -> memref<128x128xf32, #tpu.memory_space<hbm>>
    tpu.wait_dma2 semaphore(%arg18 : memref<!tpu.dma_semaphore, #tpu.memory_space<semaphore_mem>>) src(%arg6 : memref<128x128xf32, #tpu.memory_space<vmem>>) dst(%dma_wait3A_287 : memref<128x128xf32, #tpu.memory_space<hbm>>)
    %dma_start3A_288 = arith.constant 48 : i32
    %dma_start3A_289 = arith.constant 0 : i32
    %dma_start3A_290 = tpu.memref_slice %arg5[%dma_start3A_288, %dma_start3A_289] : memref<50x128xi32, #tpu.memory_space<vmem>> -> memref<1x128xi32, #tpu.memory_space<vmem>>
    %dma_start3A_291 = tpu.memref_squeeze %dma_start3A_290 : memref<1x128xi32, #tpu.memory_space<vmem>> -> memref<128xi32, #tpu.memory_space<vmem>>
    %dma_start3A_292 = arith.constant 0 : i32
    %dma_start3A_293 = arith.constant 0 : i32
    %dma_start3A_294 = tpu.memref_slice %arg3[%dma_start3A_292, %dma_start3A_293] : memref<100000x128xf32, #tpu.memory_space<hbm>> -> memref<100000x128xf32, #tpu.memory_space<hbm>>
    tpu.enqueue_indirect_dma source(%dma_start3A_294 : memref<100000x128xf32, #tpu.memory_space<hbm>>) target(%arg6 : memref<128x128xf32, #tpu.memory_space<vmem>>) offsets(%dma_start3A_291 : memref<128xi32, #tpu.memory_space<vmem>>) semaphore(%arg12 : memref<!tpu.dma_semaphore, #tpu.memory_space<semaphore_mem>>)
    %dma_wait3A_295 = arith.constant 0 : i32
    %dma_wait3A_296 = arith.constant 0 : i32
    %dma_wait3A_297 = tpu.memref_slice %arg3[%dma_wait3A_295, %dma_wait3A_296] : memref<100000x128xf32, #tpu.memory_space<hbm>> -> memref<128x128xf32, #tpu.memory_space<hbm>>
    %dma_wait3A_298 = arith.constant 0 : i32
    %dma_wait3A_299 = arith.constant 0 : i32
    %dma_wait3A_300 = tpu.memref_slice %arg3[%dma_wait3A_298, %dma_wait3A_299] : memref<100000x128xf32, #tpu.memory_space<hbm>> -> memref<128x128xf32, #tpu.memory_space<hbm>>
    tpu.wait_dma2 semaphore(%arg16 : memref<!tpu.dma_semaphore, #tpu.memory_space<semaphore_mem>>) src(%dma_wait3A_300 : memref<128x128xf32, #tpu.memory_space<hbm>>) dst(%arg10 : memref<128x128xf32, #tpu.memory_space<vmem>>)
    %dma_start3A_301 = arith.constant 46 : i32
    %dma_start3A_302 = arith.constant 0 : i32
    %dma_start3A_303 = tpu.memref_slice %arg4[%dma_start3A_301, %mul3A_2, %dma_start3A_302] : memref<50x4096x128xf32, #tpu.memory_space<hbm>> -> memref<1x128x128xf32, #tpu.memory_space<hbm>>
    %dma_start3A_304 = tpu.memref_squeeze %dma_start3A_303 : memref<1x128x128xf32, #tpu.memory_space<hbm>> -> memref<128x128xf32, #tpu.memory_space<hbm>>
    %dma_start3A_305 = arith.constant 0 : i32
    %dma_start3A_306 = tpu.memref_slice %arg4[%dma_start3A_301, %mul3A_2, %dma_start3A_305] : memref<50x4096x128xf32, #tpu.memory_space<hbm>> -> memref<1x128x128xf32, #tpu.memory_space<hbm>>
    %dma_start3A_307 = tpu.memref_squeeze %dma_start3A_306 : memref<1x128x128xf32, #tpu.memory_space<hbm>> -> memref<128x128xf32, #tpu.memory_space<hbm>>
    tpu.enqueue_dma source(%arg10 : memref<128x128xf32, #tpu.memory_space<vmem>>) target(%dma_start3A_307 : memref<128x128xf32, #tpu.memory_space<hbm>>) target_semaphore(%arg22 : memref<!tpu.dma_semaphore, #tpu.memory_space<semaphore_mem>>)
    %dma_wait3A_308 = arith.constant 0 : i32
    %dma_wait3A_309 = arith.constant 0 : i32
    %dma_wait3A_310 = tpu.memref_slice %arg4[%dma_wait3A_308, %mul3A_2, %dma_wait3A_309] : memref<50x4096x128xf32, #tpu.memory_space<hbm>> -> memref<1x128x128xf32, #tpu.memory_space<hbm>>
    %dma_wait3A_311 = tpu.memref_squeeze %dma_wait3A_310 : memref<1x128x128xf32, #tpu.memory_space<hbm>> -> memref<128x128xf32, #tpu.memory_space<hbm>>
    %dma_wait3A_312 = arith.constant 0 : i32
    %dma_wait3A_313 = tpu.memref_slice %arg4[%dma_wait3A_308, %mul3A_2, %dma_wait3A_312] : memref<50x4096x128xf32, #tpu.memory_space<hbm>> -> memref<1x128x128xf32, #tpu.memory_space<hbm>>
    %dma_wait3A_314 = tpu.memref_squeeze %dma_wait3A_313 : memref<1x128x128xf32, #tpu.memory_space<hbm>> -> memref<128x128xf32, #tpu.memory_space<hbm>>
    tpu.wait_dma2 semaphore(%arg19 : memref<!tpu.dma_semaphore, #tpu.memory_space<semaphore_mem>>) src(%arg7 : memref<128x128xf32, #tpu.memory_space<vmem>>) dst(%dma_wait3A_314 : memref<128x128xf32, #tpu.memory_space<hbm>>)
    %dma_start3A_315 = arith.constant 49 : i32
    %dma_start3A_316 = arith.constant 0 : i32
    %dma_start3A_317 = tpu.memref_slice %arg5[%dma_start3A_315, %dma_start3A_316] : memref<50x128xi32, #tpu.memory_space<vmem>> -> memref<1x128xi32, #tpu.memory_space<vmem>>
    %dma_start3A_318 = tpu.memref_squeeze %dma_start3A_317 : memref<1x128xi32, #tpu.memory_space<vmem>> -> memref<128xi32, #tpu.memory_space<vmem>>
    %dma_start3A_319 = arith.constant 0 : i32
    %dma_start3A_320 = arith.constant 0 : i32
    %dma_start3A_321 = tpu.memref_slice %arg3[%dma_start3A_319, %dma_start3A_320] : memref<100000x128xf32, #tpu.memory_space<hbm>> -> memref<100000x128xf32, #tpu.memory_space<hbm>>
    tpu.enqueue_indirect_dma source(%dma_start3A_321 : memref<100000x128xf32, #tpu.memory_space<hbm>>) target(%arg7 : memref<128x128xf32, #tpu.memory_space<vmem>>) offsets(%dma_start3A_318 : memref<128xi32, #tpu.memory_space<vmem>>) semaphore(%arg13 : memref<!tpu.dma_semaphore, #tpu.memory_space<semaphore_mem>>)
    %dma_wait3A_322 = arith.constant 0 : i32
    %dma_wait3A_323 = arith.constant 0 : i32
    %dma_wait3A_324 = tpu.memref_slice %arg3[%dma_wait3A_322, %dma_wait3A_323] : memref<100000x128xf32, #tpu.memory_space<hbm>> -> memref<128x128xf32, #tpu.memory_space<hbm>>
    %dma_wait3A_325 = arith.constant 0 : i32
    %dma_wait3A_326 = arith.constant 0 : i32
    %dma_wait3A_327 = tpu.memref_slice %arg3[%dma_wait3A_325, %dma_wait3A_326] : memref<100000x128xf32, #tpu.memory_space<hbm>> -> memref<128x128xf32, #tpu.memory_space<hbm>>
    tpu.wait_dma2 semaphore(%arg17 : memref<!tpu.dma_semaphore, #tpu.memory_space<semaphore_mem>>) src(%dma_wait3A_327 : memref<128x128xf32, #tpu.memory_space<hbm>>) dst(%arg11 : memref<128x128xf32, #tpu.memory_space<vmem>>)
    %dma_start3A_328 = arith.constant 47 : i32
    %dma_start3A_329 = arith.constant 0 : i32
    %dma_start3A_330 = tpu.memref_slice %arg4[%dma_start3A_328, %mul3A_2, %dma_start3A_329] : memref<50x4096x128xf32, #tpu.memory_space<hbm>> -> memref<1x128x128xf32, #tpu.memory_space<hbm>>
    %dma_start3A_331 = tpu.memref_squeeze %dma_start3A_330 : memref<1x128x128xf32, #tpu.memory_space<hbm>> -> memref<128x128xf32, #tpu.memory_space<hbm>>
    %dma_start3A_332 = arith.constant 0 : i32
    %dma_start3A_333 = tpu.memref_slice %arg4[%dma_start3A_328, %mul3A_2, %dma_start3A_332] : memref<50x4096x128xf32, #tpu.memory_space<hbm>> -> memref<1x128x128xf32, #tpu.memory_space<hbm>>
    %dma_start3A_334 = tpu.memref_squeeze %dma_start3A_333 : memref<1x128x128xf32, #tpu.memory_space<hbm>> -> memref<128x128xf32, #tpu.memory_space<hbm>>
    tpu.enqueue_dma source(%arg11 : memref<128x128xf32, #tpu.memory_space<vmem>>) target(%dma_start3A_334 : memref<128x128xf32, #tpu.memory_space<hbm>>) target_semaphore(%arg23 : memref<!tpu.dma_semaphore, #tpu.memory_space<semaphore_mem>>)
    %dma_wait3A_335 = arith.constant 0 : i32
    %dma_wait3A_336 = arith.constant 0 : i32
    %dma_wait3A_337 = tpu.memref_slice %arg3[%dma_wait3A_335, %dma_wait3A_336] : memref<100000x128xf32, #tpu.memory_space<hbm>> -> memref<128x128xf32, #tpu.memory_space<hbm>>
    %dma_wait3A_338 = arith.constant 0 : i32
    %dma_wait3A_339 = arith.constant 0 : i32
    %dma_wait3A_340 = tpu.memref_slice %arg3[%dma_wait3A_338, %dma_wait3A_339] : memref<100000x128xf32, #tpu.memory_space<hbm>> -> memref<128x128xf32, #tpu.memory_space<hbm>>
    tpu.wait_dma2 semaphore(%arg12 : memref<!tpu.dma_semaphore, #tpu.memory_space<semaphore_mem>>) src(%dma_wait3A_340 : memref<128x128xf32, #tpu.memory_space<hbm>>) dst(%arg6 : memref<128x128xf32, #tpu.memory_space<vmem>>)
    %dma_start3A_341 = arith.constant 48 : i32
    %dma_start3A_342 = arith.constant 0 : i32
    %dma_start3A_343 = tpu.memref_slice %arg4[%dma_start3A_341, %mul3A_2, %dma_start3A_342] : memref<50x4096x128xf32, #tpu.memory_space<hbm>> -> memref<1x128x128xf32, #tpu.memory_space<hbm>>
    %dma_start3A_344 = tpu.memref_squeeze %dma_start3A_343 : memref<1x128x128xf32, #tpu.memory_space<hbm>> -> memref<128x128xf32, #tpu.memory_space<hbm>>
    %dma_start3A_345 = arith.constant 0 : i32
    %dma_start3A_346 = tpu.memref_slice %arg4[%dma_start3A_341, %mul3A_2, %dma_start3A_345] : memref<50x4096x128xf32, #tpu.memory_space<hbm>> -> memref<1x128x128xf32, #tpu.memory_space<hbm>>
    %dma_start3A_347 = tpu.memref_squeeze %dma_start3A_346 : memref<1x128x128xf32, #tpu.memory_space<hbm>> -> memref<128x128xf32, #tpu.memory_space<hbm>>
    tpu.enqueue_dma source(%arg6 : memref<128x128xf32, #tpu.memory_space<vmem>>) target(%dma_start3A_347 : memref<128x128xf32, #tpu.memory_space<hbm>>) target_semaphore(%arg18 : memref<!tpu.dma_semaphore, #tpu.memory_space<semaphore_mem>>)
    %dma_wait3A_348 = arith.constant 0 : i32
    %dma_wait3A_349 = arith.constant 0 : i32
    %dma_wait3A_350 = tpu.memref_slice %arg3[%dma_wait3A_348, %dma_wait3A_349] : memref<100000x128xf32, #tpu.memory_space<hbm>> -> memref<128x128xf32, #tpu.memory_space<hbm>>
    %dma_wait3A_351 = arith.constant 0 : i32
    %dma_wait3A_352 = arith.constant 0 : i32
    %dma_wait3A_353 = tpu.memref_slice %arg3[%dma_wait3A_351, %dma_wait3A_352] : memref<100000x128xf32, #tpu.memory_space<hbm>> -> memref<128x128xf32, #tpu.memory_space<hbm>>
    tpu.wait_dma2 semaphore(%arg13 : memref<!tpu.dma_semaphore, #tpu.memory_space<semaphore_mem>>) src(%dma_wait3A_353 : memref<128x128xf32, #tpu.memory_space<hbm>>) dst(%arg7 : memref<128x128xf32, #tpu.memory_space<vmem>>)
    %dma_start3A_354 = arith.constant 49 : i32
    %dma_start3A_355 = arith.constant 0 : i32
    %dma_start3A_356 = tpu.memref_slice %arg4[%dma_start3A_354, %mul3A_2, %dma_start3A_355] : memref<50x4096x128xf32, #tpu.memory_space<hbm>> -> memref<1x128x128xf32, #tpu.memory_space<hbm>>
    %dma_start3A_357 = tpu.memref_squeeze %dma_start3A_356 : memref<1x128x128xf32, #tpu.memory_space<hbm>> -> memref<128x128xf32, #tpu.memory_space<hbm>>
    %dma_start3A_358 = arith.constant 0 : i32
    %dma_start3A_359 = tpu.memref_slice %arg4[%dma_start3A_354, %mul3A_2, %dma_start3A_358] : memref<50x4096x128xf32, #tpu.memory_space<hbm>> -> memref<1x128x128xf32, #tpu.memory_space<hbm>>
    %dma_start3A_360 = tpu.memref_squeeze %dma_start3A_359 : memref<1x128x128xf32, #tpu.memory_space<hbm>> -> memref<128x128xf32, #tpu.memory_space<hbm>>
    tpu.enqueue_dma source(%arg7 : memref<128x128xf32, #tpu.memory_space<vmem>>) target(%dma_start3A_360 : memref<128x128xf32, #tpu.memory_space<hbm>>) target_semaphore(%arg19 : memref<!tpu.dma_semaphore, #tpu.memory_space<semaphore_mem>>)
    %dma_wait3A_361 = arith.constant 0 : i32
    %dma_wait3A_362 = arith.constant 0 : i32
    %dma_wait3A_363 = tpu.memref_slice %arg4[%dma_wait3A_361, %mul3A_2, %dma_wait3A_362] : memref<50x4096x128xf32, #tpu.memory_space<hbm>> -> memref<1x128x128xf32, #tpu.memory_space<hbm>>
    %dma_wait3A_364 = tpu.memref_squeeze %dma_wait3A_363 : memref<1x128x128xf32, #tpu.memory_space<hbm>> -> memref<128x128xf32, #tpu.memory_space<hbm>>
    %dma_wait3A_365 = arith.constant 0 : i32
    %dma_wait3A_366 = tpu.memref_slice %arg4[%dma_wait3A_361, %mul3A_2, %dma_wait3A_365] : memref<50x4096x128xf32, #tpu.memory_space<hbm>> -> memref<1x128x128xf32, #tpu.memory_space<hbm>>
    %dma_wait3A_367 = tpu.memref_squeeze %dma_wait3A_366 : memref<1x128x128xf32, #tpu.memory_space<hbm>> -> memref<128x128xf32, #tpu.memory_space<hbm>>
    tpu.wait_dma2 semaphore(%arg20 : memref<!tpu.dma_semaphore, #tpu.memory_space<semaphore_mem>>) src(%arg8 : memref<128x128xf32, #tpu.memory_space<vmem>>) dst(%dma_wait3A_367 : memref<128x128xf32, #tpu.memory_space<hbm>>)
    %dma_wait3A_368 = arith.constant 0 : i32
    %dma_wait3A_369 = arith.constant 0 : i32
    %dma_wait3A_370 = tpu.memref_slice %arg4[%dma_wait3A_368, %mul3A_2, %dma_wait3A_369] : memref<50x4096x128xf32, #tpu.memory_space<hbm>> -> memref<1x128x128xf32, #tpu.memory_space<hbm>>
    %dma_wait3A_371 = tpu.memref_squeeze %dma_wait3A_370 : memref<1x128x128xf32, #tpu.memory_space<hbm>> -> memref<128x128xf32, #tpu.memory_space<hbm>>
    %dma_wait3A_372 = arith.constant 0 : i32
    %dma_wait3A_373 = tpu.memref_slice %arg4[%dma_wait3A_368, %mul3A_2, %dma_wait3A_372] : memref<50x4096x128xf32, #tpu.memory_space<hbm>> -> memref<1x128x128xf32, #tpu.memory_space<hbm>>
    %dma_wait3A_374 = tpu.memref_squeeze %dma_wait3A_373 : memref<1x128x128xf32, #tpu.memory_space<hbm>> -> memref<128x128xf32, #tpu.memory_space<hbm>>
    tpu.wait_dma2 semaphore(%arg21 : memref<!tpu.dma_semaphore, #tpu.memory_space<semaphore_mem>>) src(%arg9 : memref<128x128xf32, #tpu.memory_space<vmem>>) dst(%dma_wait3A_374 : memref<128x128xf32, #tpu.memory_space<hbm>>)
    %dma_wait3A_375 = arith.constant 0 : i32
    %dma_wait3A_376 = arith.constant 0 : i32
    %dma_wait3A_377 = tpu.memref_slice %arg4[%dma_wait3A_375, %mul3A_2, %dma_wait3A_376] : memref<50x4096x128xf32, #tpu.memory_space<hbm>> -> memref<1x128x128xf32, #tpu.memory_space<hbm>>
    %dma_wait3A_378 = tpu.memref_squeeze %dma_wait3A_377 : memref<1x128x128xf32, #tpu.memory_space<hbm>> -> memref<128x128xf32, #tpu.memory_space<hbm>>
    %dma_wait3A_379 = arith.constant 0 : i32
    %dma_wait3A_380 = tpu.memref_slice %arg4[%dma_wait3A_375, %mul3A_2, %dma_wait3A_379] : memref<50x4096x128xf32, #tpu.memory_space<hbm>> -> memref<1x128x128xf32, #tpu.memory_space<hbm>>
    %dma_wait3A_381 = tpu.memref_squeeze %dma_wait3A_380 : memref<1x128x128xf32, #tpu.memory_space<hbm>> -> memref<128x128xf32, #tpu.memory_space<hbm>>
    tpu.wait_dma2 semaphore(%arg22 : memref<!tpu.dma_semaphore, #tpu.memory_space<semaphore_mem>>) src(%arg10 : memref<128x128xf32, #tpu.memory_space<vmem>>) dst(%dma_wait3A_381 : memref<128x128xf32, #tpu.memory_space<hbm>>)
    %dma_wait3A_382 = arith.constant 0 : i32
    %dma_wait3A_383 = arith.constant 0 : i32
    %dma_wait3A_384 = tpu.memref_slice %arg4[%dma_wait3A_382, %mul3A_2, %dma_wait3A_383] : memref<50x4096x128xf32, #tpu.memory_space<hbm>> -> memref<1x128x128xf32, #tpu.memory_space<hbm>>
    %dma_wait3A_385 = tpu.memref_squeeze %dma_wait3A_384 : memref<1x128x128xf32, #tpu.memory_space<hbm>> -> memref<128x128xf32, #tpu.memory_space<hbm>>
    %dma_wait3A_386 = arith.constant 0 : i32
    %dma_wait3A_387 = tpu.memref_slice %arg4[%dma_wait3A_382, %mul3A_2, %dma_wait3A_386] : memref<50x4096x128xf32, #tpu.memory_space<hbm>> -> memref<1x128x128xf32, #tpu.memory_space<hbm>>
    %dma_wait3A_388 = tpu.memref_squeeze %dma_wait3A_387 : memref<1x128x128xf32, #tpu.memory_space<hbm>> -> memref<128x128xf32, #tpu.memory_space<hbm>>
    tpu.wait_dma2 semaphore(%arg23 : memref<!tpu.dma_semaphore, #tpu.memory_space<semaphore_mem>>) src(%arg11 : memref<128x128xf32, #tpu.memory_space<vmem>>) dst(%dma_wait3A_388 : memref<128x128xf32, #tpu.memory_space<hbm>>)
    %dma_wait3A_389 = arith.constant 0 : i32
    %dma_wait3A_390 = arith.constant 0 : i32
    %dma_wait3A_391 = tpu.memref_slice %arg4[%dma_wait3A_389, %mul3A_2, %dma_wait3A_390] : memref<50x4096x128xf32, #tpu.memory_space<hbm>> -> memref<1x128x128xf32, #tpu.memory_space<hbm>>
    %dma_wait3A_392 = tpu.memref_squeeze %dma_wait3A_391 : memref<1x128x128xf32, #tpu.memory_space<hbm>> -> memref<128x128xf32, #tpu.memory_space<hbm>>
    %dma_wait3A_393 = arith.constant 0 : i32
    %dma_wait3A_394 = tpu.memref_slice %arg4[%dma_wait3A_389, %mul3A_2, %dma_wait3A_393] : memref<50x4096x128xf32, #tpu.memory_space<hbm>> -> memref<1x128x128xf32, #tpu.memory_space<hbm>>
    %dma_wait3A_395 = tpu.memref_squeeze %dma_wait3A_394 : memref<1x128x128xf32, #tpu.memory_space<hbm>> -> memref<128x128xf32, #tpu.memory_space<hbm>>
    tpu.wait_dma2 semaphore(%arg18 : memref<!tpu.dma_semaphore, #tpu.memory_space<semaphore_mem>>) src(%arg6 : memref<128x128xf32, #tpu.memory_space<vmem>>) dst(%dma_wait3A_395 : memref<128x128xf32, #tpu.memory_space<hbm>>)
    %dma_wait3A_396 = arith.constant 0 : i32
    %dma_wait3A_397 = arith.constant 0 : i32
    %dma_wait3A_398 = tpu.memref_slice %arg4[%dma_wait3A_396, %mul3A_2, %dma_wait3A_397] : memref<50x4096x128xf32, #tpu.memory_space<hbm>> -> memref<1x128x128xf32, #tpu.memory_space<hbm>>
    %dma_wait3A_399 = tpu.memref_squeeze %dma_wait3A_398 : memref<1x128x128xf32, #tpu.memory_space<hbm>> -> memref<128x128xf32, #tpu.memory_space<hbm>>
    %dma_wait3A_400 = arith.constant 0 : i32
    %dma_wait3A_401 = tpu.memref_slice %arg4[%dma_wait3A_396, %mul3A_2, %dma_wait3A_400] : memref<50x4096x128xf32, #tpu.memory_space<hbm>> -> memref<1x128x128xf32, #tpu.memory_space<hbm>>
    %dma_wait3A_402 = tpu.memref_squeeze %dma_wait3A_401 : memref<1x128x128xf32, #tpu.memory_space<hbm>> -> memref<128x128xf32, #tpu.memory_space<hbm>>
    tpu.wait_dma2 semaphore(%arg19 : memref<!tpu.dma_semaphore, #tpu.memory_space<semaphore_mem>>) src(%arg7 : memref<128x128xf32, #tpu.memory_space<vmem>>) dst(%dma_wait3A_402 : memref<128x128xf32, #tpu.memory_space<hbm>>)
    return
  }
}

</mosaic_0001>

<sc_bundles>
// kernel: kernel.3.cloned.1.call-start
scs
__scs_entry_jumppad:
0x0: {  	(pc) =	sbr.rel $0x88, $3  }
0x1: {  	(tag) =	ssettag $0x0;
	lr =	simm.s32 $0x1  }
0x2: {  	[smem:$0x3F9F] =	sst lr;
	_ =	strace $0xD0000000  }
0x3: {  	_ = 	snop  }
0x4: {  	_ = 	snop  }
0x5: {  	_ = 	snop  }
0x6: {  	_ = 	snop  }
0x7: {  	_ = 	snop  }
__scs_overlays_trampoline_lowered:
0x8: {  	[smem:$0x3FAE] =	sst s0  }
0x9: {  	[smem:$0x3FAF] =	sst s1  }
0xa: {  	[smem:$0x3FB0] =	sst s2  }
0xb: {  	[smem:$0x3FB1] =	sst s3  }
0xc: {  	[smem:$0x3FB2] =	sst s4  }
0xd: {  	[smem:$0x3FB3] =	sst s5  }
0xe: {  	[smem:$0x3FB4] =	sst s6  }
0xf: {  	[smem:$0x3FB5] =	sst s7  }
0x10: {  	[smem:$0x3FB6] =	sst s8  }
0x11: {  	[smem:$0x3FB7] =	sst s9;
	s0 =	simm.s32 @!p0 $0x0  }
0x12: {  	s1 =	sld [smem:$0x3F9D];
	s0 =	simm.s32 @p0 $0x1  }
0x13: {  	[smem:$0x3FB8] =	sst s0;
	s0 =	simm.s32 @!p1 $0x0  }
0x14: {  	s2 =	sld [smem:$0x3F9C];
	s0 =	simm.s32 @p1 $0x1  }
0x15: {  	[smem:$0x3FB9] =	sst s0;
	s0 =	simm.s32 @!p2 $0x0  }
0x16: {  	s3 =	sld [smem:$0x3FDB];
	s0 =	simm.s32 @p2 $0x1  }
0x17: {  	s4 =	simm.s32 $0x1BF5;
	[smem:$0x3FBB] =	sst s0  }
0x18: {  	s0 =	sld [smem:$0x3F9E];
	_ =	swait.ge [sflag:s4], $0x0  }
0x19: {  	s7 =	sld [smem:$0x3F9F]  }
0x1a: {  	s8 =	sadd.s32 $0xFFFFE003, lr  }
0x1b: {  	s9 =	sadd.s32 $0xFFFFFEF7, lr;
	s5 =	simm.s32 $0xFFFFFFFF;
	p2 =	slt.u32 s8, $0xFFFFF086  }
0x1c: {  	p1 =	slt.u32 s9, $0xF7A;
	s5 =	simm.s32 @!p2 $0x0  }
0x1d: {  	s5 =	simm.s32 @p1 $0x1;
	p0 =	seq.s32 s7, s2  }
0x1e: {  	s7 =	smul.u32 @!p0 $0xF7A, s2;
	p2 =	seq.s32 @!p0 s5, $0x0  }
0x1f: {  	s9 =	smul.u32 $0xF7A, s1;
	s8 =	simm.s32 @!p0 $0x1BF5;
	p2 =	por !p2, p0  }
0x20: {  	[sflag:s8] =	ssyncset.s32 @!p0 $0xFFFFF086;
	s6 =	sadd.s32 @!p0 s3, s7;
	s7 =	simm.s32 @!p0 $0x108  }
0x21: {  	s3 =	sadd.s32 s3, s9;
	s6 =	sadd.s32 @!p0 $0x88, s6;
	s7 =	simm.s32 @p2 $0x1082  }
0x22: {  	[simem:s7], [sflag:s8] =	dma.local @!p0 [hbm:s6], $0xF7A  }
0x23: {  	s9 =	sor.u32 $0xD0000000, s2;
	s6 =	simm.s32 $0x108;
	_ =	swait.ge @!p0 [sflag:s8], $0x0  }
0x24: {  	s3 =	sadd.s32 $0x88, s3;
	s6 =	simm.s32 @!p1 $0x1082;
	[sflag:s4] =	ssyncset.s32 $0xFFFFF086  }
0x25: {  	[simem:s6], [sflag:s4] =	dma.local [hbm:s3], $0xF7A  }
0x26: {  	[smem:$0x3F9F] =	sst s1;
	(tag) =	ssettag s2;
	_ =	strace s9  }
0x27: {  	s1 =	sld [smem:$0x3FAF]  }
0x28: {  	s2 =	sld [smem:$0x3FB0]  }
0x29: {  	s4 =	sld [smem:$0x3FB2]  }
0x2a: {  	p0 =	seq.s32 s5, $0x0;
	s5 =	sld [smem:$0x3FB3]  }
0x2b: {  	s6 =	sld [smem:$0x3FB4]  }
0x2c: {  	s7 =	sld [smem:$0x3FB5]  }
0x2d: {  	s3 =	simm.s32 $0x108;
	s8 =	sld [smem:$0x3FB6]  }
0x2e: {  	s3 =	simm.s32 @!p0 $0x1082;
	s9 =	sld [smem:$0x3FB7]  }
0x2f: {  	lr =	sadd.s32 s0, s3;
	s0 =	sld [smem:$0x3FAE]  }
0x30: {  	s3 =	sld [smem:$0x3FB1]  }
0x31: {  	[smem:$0x3FBA] =	sst s10  }
0x32: {  	s10 =	sld [smem:$0x3FB8];
	_ =	sdelay $0x3  }
0x33: {  	p0 =	seq.s32 s10, $0x1;
	s10 =	sld [smem:$0x3FBA];
	_ =	sdelay $0x3  }
0x34: {  	[smem:$0x3FBA] =	sst s10  }
0x35: {  	s10 =	sld [smem:$0x3FB9];
	_ =	sdelay $0x3  }
0x36: {  	p1 =	seq.s32 s10, $0x1;
	s10 =	sld [smem:$0x3FBA];
	_ =	sdelay $0x3  }
0x37: {  	[smem:$0x3FBA] =	sst s10  }
0x38: {  	s10 =	sld [smem:$0x3FBB]  }
0x39: {  	_ = 	snop;
	(pc) =	sbr.ind lr, $3  }
0x3a: {  	_ = 	snop  }
0x3b: {  	_ = 	snop  }
0x3c: {  	p2 =	seq.s32 s10, $0x1;
	s10 =	sld [smem:$0x3FBA]  }
0x3d: {  	_ =	shalt  }
0x3e: {  	_ =	shalt  }
0x3f: {  	_ =	shalt  }
0x40: {  	_ =	shalt  }
0x41: {  	_ =	shalt  }
0x42: {  	_ =	shalt  }
0x43: {  	_ =	shalt  }
0x44: {  	_ =	shalt  }
0x45: {  	_ =	shalt  }
0x46: {  	_ =	shalt  }
0x47: {  	_ =	shalt  }
0x48: {  	_ =	shalt  }
0x49: {  	_ =	shalt  }
0x4a: {  	_ =	shalt  }
0x4b: {  	_ =	shalt  }
0x4c: {  	_ =	shalt  }
0x4d: {  	_ =	shalt  }
0x4e: {  	_ =	shalt  }
0x4f: {  	_ =	shalt  }
0x50: {  	_ =	shalt  }
0x51: {  	_ =	shalt  }
0x52: {  	_ =	shalt  }
0x53: {  	_ =	shalt  }
0x54: {  	_ =	shalt  }
0x55: {  	_ =	shalt  }
0x56: {  	_ =	shalt  }
0x57: {  	_ =	shalt  }
0x58: {  	_ =	shalt  }
0x59: {  	_ =	shalt  }
0x5a: {  	_ =	shalt  }
0x5b: {  	_ =	shalt  }
0x5c: {  	_ =	shalt  }
0x5d: {  	_ =	shalt  }
0x5e: {  	_ =	shalt  }
0x5f: {  	_ =	shalt  }
0x60: {  	_ =	shalt  }
0x61: {  	_ =	shalt  }
0x62: {  	_ =	shalt  }
0x63: {  	_ =	shalt  }
0x64: {  	_ =	shalt  }
0x65: {  	_ =	shalt  }
0x66: {  	_ =	shalt  }
0x67: {  	_ =	shalt  }
0x68: {  	_ =	shalt  }
0x69: {  	_ =	shalt  }
0x6a: {  	_ =	shalt  }
0x6b: {  	_ =	shalt  }
0x6c: {  	_ =	shalt  }
0x6d: {  	_ =	shalt  }
0x6e: {  	_ =	shalt  }
0x6f: {  	_ =	shalt  }
0x70: {  	_ =	shalt  }
0x71: {  	_ =	shalt  }
0x72: {  	_ =	shalt  }
0x73: {  	_ =	shalt  }
0x74: {  	_ =	shalt  }
0x75: {  	_ =	shalt  }
0x76: {  	_ =	shalt  }
0x77: {  	_ =	shalt  }
0x78: {  	_ =	shalt  }
0x79: {  	_ =	shalt  }
0x7a: {  	_ =	shalt  }
0x7b: {  	_ =	shalt  }
0x7c: {  	_ =	shalt  }
0x7d: {  	_ =	shalt  }
0x7e: {  	_ =	shalt  }
0x7f: {  	_ =	shalt  }
0x80: {  	_ =	shalt  }
0x81: {  	_ =	shalt  }
0x82: {  	_ =	shalt  }
0x83: {  	_ =	shalt  }
0x84: {  	_ =	shalt  }
0x85: {  	_ =	shalt  }
0x86: {  	_ =	shalt  }
0x87: {  	_ =	shalt  }
.Lfunc_end0:
.L_simem_size_0:
called_computation_lowered:
.L_overlay_start_0:
0x88: {  	s2 =	sld [smem:$0x3FD9]  }
0x89: {  	s3 =	sld [smem:$0x3FFE];
	_ =	sdelay $0x1  }
0x8a: {  	s1 =	srdreg.scid  }
0x8b: {  	s0 =	sand.u32 $0x1, s1  }
0x8c: {  	s18 =	sshll.u32 s0, $0xA;
	s2 =	sadd.s32 s3, s2  }
0x8d: {  	s2 =	sadd.s32 s2, s18  }
0x8e: {  	[smem:$0x3FC6] =	sst s2  }
0x8f: {  	_ = 	snop  }
0x90: {  	s2 =	sld [smem:$0x3FC9]  }
0x91: {  	s19 =	sld [smem:$0x3FC8]  }
0x92: {  	s4 =	sld [smem:$0x3FD0];
	(tm) =	ssettm $0x1  }
0x93: {  	s5 =	sld [smem:$0x3FFB];
	_ =	sdelay $0x3  }
0x94: {  	_ =	strace s5  }
0x95: {  	s5 =	sld [smem:$0x3FFC];
	_ =	sdelay $0x3  }
0x96: {  	_ =	strace s5  }
0x97: {  	s5 =	sld [smem:$0x3FFD];
	_ =	sdelay $0x3  }
0x98: {  	_ =	strace s5  }
0x99: {  	_ =	strace $0x8FFFFFFF  }
0x9a: {  	s20 =	sld [smem:$0x3FDB];
	_ =	sdelay $0x1  }
0x9b: {  	s6 =	simm.s32 $_scs_section_size  }
0x9c: {  	s7 =	simm.s32 $_size__tile_overlayer_lowered;
	s8 =	simm.s32 $_tile_overlayer_lowered  }
0x9d: {  	s23 =	simm.s32 $0x1BFF;
	s22 =	sshll.u32 s8, $0x1;
	s5 =	sadd.s32 s6, s20  }
0x9e: {  	s9 =	simm.s32 $0x0;
	s21 =	sshll.u32 s7, $0x1;
	s7 =	sadd.s32 s22, s5  }
0x9f: {  	[timem:s9], [sflag:s23] =	dma.local [hbm:s7], s21  }
0xa0: {  	_ =	swait.ge [sflag:s23], s21  }
0xa1: {  	s6 =	ssub.s32 $0x0, s21;
	[sflag:s23] =	ssyncset.done $0x0  }
0xa2: {  	[sflag:s23] =	ssyncadd.s32 s6;
	_ =	sdelay $0x1  }
0xa3: {  	s24 =	simm.s32 $0x1B8B  }
0xa4: {  	_ =	swait.ge [sflag:s24], $0x1  }
0xa5: {  	[sflag:s24] =	ssyncset.done $0x0  }
0xa6: {  	s25 =	simm.s32 $0x1B8E;
	[sflag:s24] =	ssyncadd.s32 $0xFFFFFFFF  }
0xa7: {  	s26 =	simm.s32 $execute0_lowered;
	[smem:$0x3FD2] =	sst s25  }
0xa8: {  	s6 =	sshll.u32 s26, $0x1;
	_ =	strace $0x80000046;
	[dreg:$0x1] =	wrdreg $0xFFFFFFFF  }
0xa9: {  	s28 =	simm.s32 $_size_execute0_lowered;
	s5 =	sadd.s32 s5, s6;
	[dreg:$0x0] =	wrdreg $0x0  }
0xaa: {  	s6 =	sshll.u32 s28, $0x1;
	[dreg:$0x2] =	wrdreg s5  }
0xab: {  	[dreg:$0x3] =	wrdreg s6  }
0xac: {  	[dreg:$0x4] =	wrdreg $0xC0  }
0xad: {  	_ =	task [dreg:s9], $0x5FFFF  }
0xae: {  	[dreg:$0x1] =	wrdreg $0xFFFFFFFF  }
0xaf: {  	[dreg:$0x0] =	wrdreg $0x60  }
0xb0: {  	[dreg:$0x2] =	wrdreg s2  }
0xb1: {  	[dreg:$0x3] =	wrdreg s19  }
0xb2: {  	[dreg:$0x4] =	wrdreg s4  }
0xb3: {  	[dreg:$0x5] =	wrdreg $0x9  }
0xb4: {  	_ =	task.clear_ibuf [dreg:s9], $0x6FFFF;
	_ =	strace $0x90000046  }
0xb5: {  	s29 =	simm.s32 $0x9;
	_ =	strace $0x80000048  }
0xb6: {  	_ =	swait.ge [sflag:s29], $0x1  }
0xb7: {  	[sflag:s29] =	ssyncadd.s32 $0xFFFFFFFF  }
0xb8: {  	_ =	strace $0x90000048  }
0xb9: {  	_ =	sfence  }
0xba: {  	s30 =	sld [smem:$0x0];
	_ =	sdelay $0x2  }
0xbb: {  	s31 =	sshll.u32 s1, $0xD;
	s1 =	sshrl.u32 s1, $0x2  }
0xbc: {  	s3 =	sand.u32 $0x4000, s31;
	s1 =	sadd.s32 s1, s30  }
0xbd: {  	s0 =	sor.u32 s3, s0;
	s1 =	sshll.u32 s1, $0x11  }
0xbe: {  	s0 =	sor.u32 s1, s0  }
0xbf: {  	s0 =	sadd.s32 $0x8F2B, s0  }
0xc0: {  	[sflag:s0] =	ssyncadd.remote.s32 $0x1  }
0xc1: {  	_ =	sfence.sel $0xFFFF  }
0xc2: {  	[dreg:$0x0] =	wrdreg $0xFFFFFFFF;
	(pc) =	sbr.abs _section_cstart, $3  }
0xc3: {  	[dreg:$0x1] =	wrdreg $0xFFFFFFFF  }
0xc4: {  	_ =	task.clear_ibuf [dreg:s9], $0x2FFFF;
	_ =	strace $0x9FFFFFFF  }
0xc5: {  	(tm) =	ssettm $0x7FFFFFFF  }
tec
execute0_lowered:
.L_overlay_start_1:
0x0: {  	(tag) =	ssettag $0x1  }
0x1: {  	s0 =	rddreg [dreg:$0x0]  }
0x2: {  	s2 =	rddreg [dreg:$0x1];
	s1 =	srdreg.scid  }
0x3: {  	s3 =	rddreg [dreg:$0x2];
	s9 =	stileid.u32;
	s1 =	sand.u32 $0x1, s1  }
0x4: {  	s4 =	simm.s32 $0x0;
	s5 =	sshll.u32 s9, $0x8;
	s6 =	sshll.u32 s1, $0x7  }
0x5: {  	[smem:$0x7FF] =	sst s4;
	s7 =	ssub.s32 $0x2, s1;
	s5 =	sor.u32 s6, s5  }
0x6: {  	_ =	strace $0x80000047;
	s26 =	sshrl.u32 s7, $0x1;
	s0 =	sadd.s32 s0, s5  }
0x7: {  	s6 =	ssub.s32 s7, s26;
	[dreg:$0x4] =	wrdreg s0;
	s0 =	sadd.s32 $0x1000, s0  }
0x8: {  	s8 =	sshll.u32 s5, $0x4;
	s6 =	smax.u32 s6, $0x1;
	[dreg:$0x6] =	wrdreg s0  }
0x9: {  	s7 =	sadd.s32 s3, s8;
	[dreg:$0x12] =	wrdreg s6  }
0xa: {  	s29 =	sadd.s32 $0x10000, s7;
	[dreg:$0x5] =	wrdreg s7  }
0xb: {  	s5 =	sadd.s32 $0x20000, s7;
	[dreg:$0x7] =	wrdreg s29  }
0xc: {  	s30 =	simm.s32 $0x1C00;
	s8 =	sadd.s32 $0x30000, s7;
	[dreg:$0x8] =	wrdreg s5  }
0xd: {  	s31 =	simm.s32 $0x6;
	s10 =	sadd.s32 $0x40000, s7;
	[dreg:$0x9] =	wrdreg s8  }
0xe: {  	s28 =	simm.s32 $0xB;
	s11 =	sadd.s32 $0x50000, s7;
	[dreg:$0xa] =	wrdreg s10  }
0xf: {  	s13 =	sshll.u32 s9, $0xF;
	s12 =	sadd.s32 $0x2A0000, s7;
	[dreg:$0xb] =	wrdreg s11  }
0x10: {  	s9 =	simm.s32 $0x9C00;
	s14 =	sadd.s32 $0x2B0000, s7;
	[dreg:$0xc] =	wrdreg s12  }
0x11: {  	s1 =	sshll.u32 s1, $0xE;
	s15 =	sadd.s32 $0x2C0000, s7;
	[dreg:$0xd] =	wrdreg s14  }
0x12: {  	s0 =	sor.u32 s1, s13;
	s16 =	sadd.s32 $0x2D0000, s7;
	[dreg:$0xe] =	wrdreg s15  }
0x13: {  	s17 =	sadd.s32 $0x2E0000, s7;
	s19 =	sadd.s32 $0x2F0000, s7;
	[dreg:$0xf] =	wrdreg s16  }
0x14: {  	s26 =	sadd.s32 $0x300000, s7;
	s13 =	simm.s32 $0x2;
	[dreg:$0x10] =	wrdreg s17  }
0x15: {  	s6 =	simm.s32 $0xC;
	s18 =	sor.u32 $0x400000, s0;
	[dreg:$0x11] =	wrdreg s19  }
0x16: {  	s20 =	sor.u32 $0x380000, s0;
	s22 =	sor.u32 $0x300000, s0;
	s23 =	sor.u32 $0x580000, s0  }
0x17: {  	s24 =	sor.u32 $0x500000, s0;
	s0 =	sor.u32 $0x480000, s0;
	[dreg:$0x19] =	wrdreg s26  }
0x18: {  	s29 =	sadd.s32 $0x310000, s7;
	s8 =	simm.s32 $0x5C00;
	s11 =	simm.s32 $0x1  }
0x19: {  	s12 =	simm.s32 $0xDC00;
	s14 =	simm.s32 $0x11C00;
	s5 =	simm.s32 $0x3  }
0x1a: {  	s15 =	simm.s32 $0x15C00;
	s16 =	simm.s32 $0x4;
	s17 =	simm.s32 $0x7  }
0x1b: {  	s19 =	simm.s32 $0x8;
	s26 =	simm.s32 $0xA;
	s10 =	simm.s32 $0x0  }
0x1c: {  	s1 =	sshrl.u32 s18, $0x3;
	s21 =	sshrl.u32 s20, $0x3;
	[dreg:$0x15] =	wrdreg s22  }
0x1d: {  	s25 =	sshrl.u32 s24, $0x3;
	[dreg:$0x1a] =	wrdreg s29;
	s1 =	sadd.s32 s1, s3  }
0x1e: {  	s0 =	sshrl.u32 s0, $0x3;
	[dreg:$0x13] =	wrdreg s1;
	s1 =	sadd.s32 s21, s3  }
0x1f: {  	s0 =	sadd.s32 s0, s3;
	[dreg:$0x14] =	wrdreg s1;
	s1 =	sshrl.u32 s23, $0x3  }
0x20: {  	s18 =	simm.s32 $0x5;
	[dreg:$0x18] =	wrdreg s0;
	s1 =	sadd.s32 s1, s3  }
0x21: {  	s21 =	simm.s32 $0x1800;
	[dreg:$0x16] =	wrdreg s1;
	s1 =	sadd.s32 s25, s3  }
0x22: {  	s0 =	simm.s32 $0x9;
	[dreg:$0x17] =	wrdreg s1;
	s1 =	simm.s32 $0x80  }
.LBB2_1:
0x23: {  	[dreg:$0x1b] =	wrdreg s10  }
0x24: {  	s7 =	rddreg [dreg:$0x4];
	s24 =	simm.s32 $0xE  }
0x25: {  	[tilespmem:s4], [sflag:$0xE] =	stream.linear.gather [hbm4b:s7+s4], $0x400, $0x38;
	[tilespmem:$0x19C00] =	vst v63  }
0x26: {  	_ =	swait.ge [sflag:s24], $0x400  }
0x27: {  	s29 =	simm.s32 $0x8000;
	[sflag:s24] =	ssyncset.done $0x0  }
0x28: {  	s20 =	simm.s32 $0x400;
	s25 =	rddreg [dreg:$0x6];
	[sflag:s24] =	ssyncadd.s32 $0xFFFFFC00  }
0x29: {  	[tilespmem:s20], [sflag:$0xD] =	stream.strided.gather [hbm4b:s25+s20], $0x1400, s29, s20, $0x38;
	[tilespmem:$0x19C00] =	vst v63  }
0x2a: {  	s7 =	sadd.s32 $0x5000, s25  }
0x2b: {  	[tilespmem:s21], [sflag:$0xD] =	stream.linear.gather [hbm4b:s7+s4], $0x100, $0x38;
	[tilespmem:$0x19C00] =	vst v63  }
0x2c: {  	_ = 	snop  }
0x2d: {  	[tilespmem:s30], [sflag:$0x1] =	stream.indirect.gather [hbm4b:s2+s1], $0x80, s4, s1, $0xb8;
	[tilespmem:$0x19C00] =	vst v63  }
0x2e: {  	_ = 	snop  }
0x2f: {  	[tilespmem:s8], [sflag:$0x2] =	stream.indirect.gather [hbm4b:s2+s1], $0x80, s1, s1, $0xb8;
	[tilespmem:$0x19C00] =	vst v63  }
0x30: {  	s22 =	simm.s32 $0x100;
	s23 =	simm.s32 $0xD  }
0x31: {  	[tilespmem:s9], [sflag:$0x3] =	stream.indirect.gather [hbm4b:s2+s1], $0x80, s22, s1, $0xb8;
	[tilespmem:$0x19C00] =	vst v63  }
0x32: {  	_ =	swait.ge [sflag:s23], $0x1500  }
0x33: {  	[sflag:s23] =	ssyncset.done $0x0  }
0x34: {  	[sflag:s23] =	ssyncadd.s32 $0xFFFFEB00  }
0x35: {  	_ =	swait.ge [sflag:s11], $0x4000  }
0x36: {  	[sflag:s11] =	ssyncset.done $0x0  }
0x37: {  	s24 =	rddreg [dreg:$0x5];
	[sflag:s11] =	ssyncadd.s32 $0xFFFFC000  }
0x38: {  	[hbm4b:s24+s4] =	stream.linear.scatter [tilespmem:s30], [sflag:$0x7], $0x4000, $0x38;
	[tilespmem:$0x19C00] =	vst v63  }
0x39: {  	s25 =	simm.s32 $0x180  }
0x3a: {  	[tilespmem:s12], [sflag:$0x4] =	stream.indirect.gather [hbm4b:s2+s1], $0x80, s25, s1, $0xb8;
	[tilespmem:$0x19C00] =	vst v63  }
0x3b: {  	_ =	swait.ge [sflag:s13], $0x4000  }
0x3c: {  	[sflag:s13] =	ssyncset.done $0x0  }
0x3d: {  	s29 =	rddreg [dreg:$0x7];
	[sflag:s13] =	ssyncadd.s32 $0xFFFFC000  }
0x3e: {  	[hbm4b:s29+s4] =	stream.linear.scatter [tilespmem:s8], [sflag:$0x8], $0x4000, $0x38;
	[tilespmem:$0x19C00] =	vst v63  }
0x3f: {  	s10 =	simm.s32 $0x200  }
0x40: {  	[tilespmem:s14], [sflag:$0x5] =	stream.indirect.gather [hbm4b:s2+s1], $0x80, s10, s1, $0xb8;
	[tilespmem:$0x19C00] =	vst v63  }
0x41: {  	_ =	swait.ge [sflag:s5], $0x4000  }
0x42: {  	[sflag:s5] =	ssyncset.done $0x0  }
0x43: {  	s21 =	rddreg [dreg:$0x8];
	[sflag:s5] =	ssyncadd.s32 $0xFFFFC000  }
0x44: {  	[hbm4b:s21+s4] =	stream.linear.scatter [tilespmem:s9], [sflag:$0x9], $0x4000, $0x38;
	[tilespmem:$0x19C00] =	vst v63  }
0x45: {  	s22 =	simm.s32 $0x280  }
0x46: {  	[tilespmem:s15], [sflag:$0x6] =	stream.indirect.gather [hbm4b:s2+s1], $0x80, s22, s1, $0xb8;
	[tilespmem:$0x19C00] =	vst v63  }
0x47: {  	_ =	swait.ge [sflag:s16], $0x4000  }
0x48: {  	[sflag:s16] =	ssyncset.done $0x0  }
0x49: {  	s23 =	rddreg [dreg:$0x9];
	[sflag:s16] =	ssyncadd.s32 $0xFFFFC000  }
0x4a: {  	[hbm4b:s23+s4] =	stream.linear.scatter [tilespmem:s12], [sflag:$0xA], $0x4000, $0x38;
	[tilespmem:$0x19C00] =	vst v63  }
0x4b: {  	_ =	swait.ge [sflag:s17], $0x4000  }
0x4c: {  	[sflag:s17] =	ssyncset.done $0x0  }
0x4d: {  	s24 =	simm.s32 $0x300;
	[sflag:s17] =	ssyncadd.s32 $0xFFFFC000  }
0x4e: {  	[tilespmem:s30], [sflag:$0x1] =	stream.indirect.gather [hbm4b:s2+s1], $0x80, s24, s1, $0xb8;
	[tilespmem:$0x19C00] =	vst v63  }
0x4f: {  	_ =	swait.ge [sflag:s18], $0x4000  }
0x50: {  	[sflag:s18] =	ssyncset.done $0x0  }
0x51: {  	s25 =	rddreg [dreg:$0xa];
	[sflag:s18] =	ssyncadd.s32 $0xFFFFC000  }
0x52: {  	[hbm4b:s25+s4] =	stream.linear.scatter [tilespmem:s14], [sflag:$0xB], $0x4000, $0x38;
	[tilespmem:$0x19C00] =	vst v63  }
0x53: {  	_ =	swait.ge [sflag:s19], $0x4000  }
0x54: {  	[sflag:s19] =	ssyncset.done $0x0  }
0x55: {  	s29 =	simm.s32 $0x380;
	[sflag:s19] =	ssyncadd.s32 $0xFFFFC000  }
0x56: {  	[tilespmem:s8], [sflag:$0x2] =	stream.indirect.gather [hbm4b:s2+s1], $0x80, s29, s1, $0xb8;
	[tilespmem:$0x19C00] =	vst v63  }
0x57: {  	_ =	swait.ge [sflag:s31], $0x4000  }
0x58: {  	[sflag:s31] =	ssyncset.done $0x0  }
0x59: {  	s10 =	rddreg [dreg:$0xb];
	[sflag:s31] =	ssyncadd.s32 $0xFFFFC000  }
0x5a: {  	[hbm4b:s10+s4] =	stream.linear.scatter [tilespmem:s15], [sflag:$0xC], $0x4000, $0x38;
	[tilespmem:$0x19C00] =	vst v63  }
0x5b: {  	_ =	swait.ge [sflag:s0], $0x4000  }
0x5c: {  	[sflag:s0] =	ssyncset.done $0x0  }
0x5d: {  	[sflag:s0] =	ssyncadd.s32 $0xFFFFC000  }
0x5e: {  	[tilespmem:s9], [sflag:$0x3] =	stream.indirect.gather [hbm4b:s2+s1], $0x80, s20, s1, $0xb8;
	[tilespmem:$0x19C00] =	vst v63  }
0x5f: {  	_ =	swait.ge [sflag:s11], $0x4000  }
0x60: {  	s23 =	rddreg [dreg:$0x15]  }
0x61: {  	[sflag:s11] =	ssyncset.done $0x0;
	s21 =	sshrl.u32 s23, $0x3  }
0x62: {  	[sflag:s11] =	ssyncadd.s32 $0xFFFFC000;
	s7 =	sadd.s32 s3, s21  }
0x63: {  	[hbm4b:s7+s4] =	stream.linear.scatter [tilespmem:s30], [sflag:$0x7], $0x4000, $0x38;
	[tilespmem:$0x19C00] =	vst v63  }
0x64: {  	_ =	swait.ge [sflag:s26], $0x4000  }
0x65: {  	[sflag:s26] =	ssyncset.done $0x0  }
0x66: {  	s22 =	simm.s32 $0x480;
	[sflag:s26] =	ssyncadd.s32 $0xFFFFC000  }
0x67: {  	[tilespmem:s12], [sflag:$0x4] =	stream.indirect.gather [hbm4b:s2+s1], $0x80, s22, s1, $0xb8;
	[tilespmem:$0x19C00] =	vst v63  }
0x68: {  	_ =	swait.ge [sflag:s13], $0x4000  }
0x69: {  	[sflag:s13] =	ssyncset.done $0x0  }
0x6a: {  	s22 =	rddreg [dreg:$0x14];
	[sflag:s13] =	ssyncadd.s32 $0xFFFFC000  }
0x6b: {  	[hbm4b:s22+s4] =	stream.linear.scatter [tilespmem:s8], [sflag:$0x8], $0x4000, $0x38;
	[tilespmem:$0x19C00] =	vst v63  }
0x6c: {  	_ =	swait.ge [sflag:s28], $0x4000  }
0x6d: {  	[sflag:s28] =	ssyncset.done $0x0  }
0x6e: {  	s24 =	simm.s32 $0x500;
	[sflag:s28] =	ssyncadd.s32 $0xFFFFC000  }
0x6f: {  	[tilespmem:s14], [sflag:$0x5] =	stream.indirect.gather [hbm4b:s2+s1], $0x80, s24, s1, $0xb8;
	[tilespmem:$0x19C00] =	vst v63  }
0x70: {  	_ =	swait.ge [sflag:s5], $0x4000  }
0x71: {  	[sflag:s5] =	ssyncset.done $0x0  }
0x72: {  	s24 =	rddreg [dreg:$0x13];
	[sflag:s5] =	ssyncadd.s32 $0xFFFFC000  }
0x73: {  	[hbm4b:s24+s4] =	stream.linear.scatter [tilespmem:s9], [sflag:$0x9], $0x4000, $0x38;
	[tilespmem:$0x19C00] =	vst v63  }
0x74: {  	_ =	swait.ge [sflag:s6], $0x4000  }
0x75: {  	[sflag:s6] =	ssyncset.done $0x0  }
0x76: {  	s25 =	simm.s32 $0x580;
	[sflag:s6] =	ssyncadd.s32 $0xFFFFC000  }
0x77: {  	[tilespmem:s15], [sflag:$0x6] =	stream.indirect.gather [hbm4b:s2+s1], $0x80, s25, s1, $0xb8;
	[tilespmem:$0x19C00] =	vst v63  }
0x78: {  	_ =	swait.ge [sflag:s16], $0x4000  }
0x79: {  	[sflag:s16] =	ssyncset.done $0x0  }
0x7a: {  	s29 =	rddreg [dreg:$0x18];
	[sflag:s16] =	ssyncadd.s32 $0xFFFFC000  }
0x7b: {  	[hbm4b:s29+s4] =	stream.linear.scatter [tilespmem:s12], [sflag:$0xA], $0x4000, $0x38;
	[tilespmem:$0x19C00] =	vst v63  }
0x7c: {  	_ =	swait.ge [sflag:s17], $0x4000  }
0x7d: {  	[sflag:s17] =	ssyncset.done $0x0  }
0x7e: {  	s21 =	simm.s32 $0x600;
	[sflag:s17] =	ssyncadd.s32 $0xFFFFC000  }
0x7f: {  	[tilespmem:s30], [sflag:$0x1] =	stream.indirect.gather [hbm4b:s2+s1], $0x80, s21, s1, $0xb8;
	[tilespmem:$0x19C00] =	vst v63  }
0x80: {  	_ =	swait.ge [sflag:s18], $0x4000  }
0x81: {  	[sflag:s18] =	ssyncset.done $0x0  }
0x82: {  	s21 =	rddreg [dreg:$0x17];
	[sflag:s18] =	ssyncadd.s32 $0xFFFFC000  }
0x83: {  	[hbm4b:s21+s4] =	stream.linear.scatter [tilespmem:s14], [sflag:$0xB], $0x4000, $0x38;
	[tilespmem:$0x19C00] =	vst v63  }
0x84: {  	_ =	swait.ge [sflag:s19], $0x4000  }
0x85: {  	[sflag:s19] =	ssyncset.done $0x0  }
0x86: {  	s25 =	simm.s32 $0x680;
	[sflag:s19] =	ssyncadd.s32 $0xFFFFC000  }
0x87: {  	[tilespmem:s8], [sflag:$0x2] =	stream.indirect.gather [hbm4b:s2+s1], $0x80, s25, s1, $0xb8;
	[tilespmem:$0x19C00] =	vst v63  }
0x88: {  	_ =	swait.ge [sflag:s31], $0x4000  }
0x89: {  	s10 =	simm.s32 $0xC00;
	[sflag:s31] =	ssyncset.done $0x0  }
0x8a: {  	s7 =	sadd.s32 $0x60000, s29;
	s29 =	rddreg [dreg:$0x16];
	[sflag:s31] =	ssyncadd.s32 $0xFFFFC000  }
0x8b: {  	[hbm4b:s29+s4] =	stream.linear.scatter [tilespmem:s15], [sflag:$0xC], $0x4000, $0x38;
	[tilespmem:$0x19C00] =	vst v63  }
0x8c: {  	s23 =	sadd.s32 $0x300000, s23;
	s22 =	sadd.s32 $0x60000, s22;
	_ =	swait.ge [sflag:s0], $0x4000  }
0x8d: {  	s24 =	sadd.s32 $0x60000, s24;
	s21 =	sadd.s32 $0x60000, s21;
	[sflag:s0] =	ssyncset.done $0x0  }
0x8e: {  	s25 =	simm.s32 $0x700;
	s20 =	sadd.s32 $0x60000, s29;
	[sflag:s0] =	ssyncadd.s32 $0xFFFFC000  }
.LBB2_2:
0x8f: {  	[tilespmem:s9], [sflag:$0x3] =	stream.indirect.gather [hbm4b:s2+s1], $0x80, s25, s1, $0xb8;
	[tilespmem:$0x19C00] =	vst v63  }
0x90: {  	s25 =	smov.u32 s10  }
0x91: {  	p0 =	sne.s32 s10, $0x3C00;
	s10 =	sadd.s32 $0xC00, s10;
	_ =	swait.ge [sflag:s11], $0x4000  }
0x92: {  	s29 =	sshrl.u32 s23, $0x3;
	[sflag:s11] =	ssyncset.done $0x0  }
0x93: {  	s29 =	sadd.s32 s3, s29;
	[sflag:s11] =	ssyncadd.s32 $0xFFFFC000  }
0x94: {  	[hbm4b:s29+s4] =	stream.linear.scatter [tilespmem:s30], [sflag:$0x7], $0x4000, $0x38;
	[tilespmem:$0x19C00] =	vst v63  }
0x95: {  	_ =	swait.ge [sflag:s26], $0x4000  }
0x96: {  	s25 =	sshra.s32 s25, $0x2;
	[sflag:s26] =	ssyncset.done $0x0  }
0x97: {  	s29 =	sadd.s32 $0x480, s25;
	[sflag:s26] =	ssyncadd.s32 $0xFFFFC000  }
0x98: {  	[tilespmem:s12], [sflag:$0x4] =	stream.indirect.gather [hbm4b:s2+s1], $0x80, s29, s1, $0xb8;
	[tilespmem:$0x19C00] =	vst v63  }
0x99: {  	_ =	swait.ge [sflag:s13], $0x4000  }
0x9a: {  	[sflag:s13] =	ssyncset.done $0x0  }
0x9b: {  	[sflag:s13] =	ssyncadd.s32 $0xFFFFC000  }
0x9c: {  	[hbm4b:s22+s4] =	stream.linear.scatter [tilespmem:s8], [sflag:$0x8], $0x4000, $0x38;
	[tilespmem:$0x19C00] =	vst v63  }
0x9d: {  	_ =	swait.ge [sflag:s28], $0x4000  }
0x9e: {  	[sflag:s28] =	ssyncset.done $0x0  }
0x9f: {  	s29 =	sadd.s32 $0x500, s25;
	[sflag:s28] =	ssyncadd.s32 $0xFFFFC000  }
0xa0: {  	[tilespmem:s14], [sflag:$0x5] =	stream.indirect.gather [hbm4b:s2+s1], $0x80, s29, s1, $0xb8;
	[tilespmem:$0x19C00] =	vst v63  }
0xa1: {  	_ =	swait.ge [sflag:s5], $0x4000  }
0xa2: {  	[sflag:s5] =	ssyncset.done $0x0  }
0xa3: {  	[sflag:s5] =	ssyncadd.s32 $0xFFFFC000  }
0xa4: {  	[hbm4b:s24+s4] =	stream.linear.scatter [tilespmem:s9], [sflag:$0x9], $0x4000, $0x38;
	[tilespmem:$0x19C00] =	vst v63  }
0xa5: {  	_ =	swait.ge [sflag:s6], $0x4000  }
0xa6: {  	[sflag:s6] =	ssyncset.done $0x0  }
0xa7: {  	s29 =	sadd.s32 $0x580, s25;
	[sflag:s6] =	ssyncadd.s32 $0xFFFFC000  }
0xa8: {  	[tilespmem:s15], [sflag:$0x6] =	stream.indirect.gather [hbm4b:s2+s1], $0x80, s29, s1, $0xb8;
	[tilespmem:$0x19C00] =	vst v63  }
0xa9: {  	_ =	swait.ge [sflag:s16], $0x4000  }
0xaa: {  	[sflag:s16] =	ssyncset.done $0x0  }
0xab: {  	[sflag:s16] =	ssyncadd.s32 $0xFFFFC000  }
0xac: {  	[hbm4b:s7+s4] =	stream.linear.scatter [tilespmem:s12], [sflag:$0xA], $0x4000, $0x38;
	[tilespmem:$0x19C00] =	vst v63  }
0xad: {  	_ =	swait.ge [sflag:s17], $0x4000  }
0xae: {  	[sflag:s17] =	ssyncset.done $0x0  }
0xaf: {  	s29 =	sadd.s32 $0x600, s25;
	[sflag:s17] =	ssyncadd.s32 $0xFFFFC000  }
0xb0: {  	[tilespmem:s30], [sflag:$0x1] =	stream.indirect.gather [hbm4b:s2+s1], $0x80, s29, s1, $0xb8;
	[tilespmem:$0x19C00] =	vst v63  }
0xb1: {  	_ =	swait.ge [sflag:s18], $0x4000  }
0xb2: {  	[sflag:s18] =	ssyncset.done $0x0  }
0xb3: {  	[sflag:s18] =	ssyncadd.s32 $0xFFFFC000  }
0xb4: {  	[hbm4b:s21+s4] =	stream.linear.scatter [tilespmem:s14], [sflag:$0xB], $0x4000, $0x38;
	[tilespmem:$0x19C00] =	vst v63  }
0xb5: {  	_ =	swait.ge [sflag:s19], $0x4000  }
0xb6: {  	[sflag:s19] =	ssyncset.done $0x0  }
0xb7: {  	s29 =	sadd.s32 $0x680, s25;
	[sflag:s19] =	ssyncadd.s32 $0xFFFFC000  }
0xb8: {  	[tilespmem:s8], [sflag:$0x2] =	stream.indirect.gather [hbm4b:s2+s1], $0x80, s29, s1, $0xb8;
	[tilespmem:$0x19C00] =	vst v63  }
0xb9: {  	_ =	swait.ge [sflag:s31], $0x4000  }
0xba: {  	[sflag:s31] =	ssyncset.done $0x0  }
.Ltmp0:
0xbb: {  	s7 =	sadd.s32 $0x60000, s7;
	[sflag:s31] =	ssyncadd.s32 $0xFFFFC000;
	(pc) =	sbr.rel @p0 .LBB2_2-.Ltmp0, $4  }
0xbc: {  	[hbm4b:s20+s4] =	stream.linear.scatter [tilespmem:s15], [sflag:$0xC], $0x4000, $0x38;
	[tilespmem:$0x19C00] =	vst v63  }
0xbd: {  	s21 =	sadd.s32 $0x60000, s21;
	s20 =	sadd.s32 $0x60000, s20;
	_ =	swait.ge [sflag:s0], $0x4000  }
0xbe: {  	s23 =	sadd.s32 $0x300000, s23;
	s22 =	sadd.s32 $0x60000, s22;
	[sflag:s0] =	ssyncset.done $0x0  }
0xbf: {  	s24 =	sadd.s32 $0x60000, s24;
	s25 =	sadd.s32 $0x700, s25;
	[sflag:s0] =	ssyncadd.s32 $0xFFFFC000  }
0xc0: {  	[tilespmem:s9], [sflag:$0x3] =	stream.indirect.gather [hbm4b:s2+s1], $0x80, s25, s1, $0xb8;
	[tilespmem:$0x19C00] =	vst v63  }
0xc1: {  	_ =	swait.ge [sflag:s11], $0x4000  }
0xc2: {  	[sflag:s11] =	ssyncset.done $0x0  }
0xc3: {  	s7 =	rddreg [dreg:$0xc];
	[sflag:s11] =	ssyncadd.s32 $0xFFFFC000  }
0xc4: {  	[hbm4b:s7+s4] =	stream.linear.scatter [tilespmem:s30], [sflag:$0x7], $0x4000, $0x38;
	[tilespmem:$0x19C00] =	vst v63  }
0xc5: {  	_ =	swait.ge [sflag:s26], $0x4000  }
0xc6: {  	[sflag:s26] =	ssyncset.done $0x0  }
0xc7: {  	s22 =	simm.s32 $0x1680;
	[sflag:s26] =	ssyncadd.s32 $0xFFFFC000  }
0xc8: {  	[tilespmem:s12], [sflag:$0x4] =	stream.indirect.gather [hbm4b:s2+s1], $0x80, s22, s1, $0xb8;
	[tilespmem:$0x19C00] =	vst v63  }
0xc9: {  	_ =	swait.ge [sflag:s13], $0x4000  }
0xca: {  	[sflag:s13] =	ssyncset.done $0x0  }
0xcb: {  	s23 =	rddreg [dreg:$0xd];
	[sflag:s13] =	ssyncadd.s32 $0xFFFFC000  }
0xcc: {  	[hbm4b:s23+s4] =	stream.linear.scatter [tilespmem:s8], [sflag:$0x8], $0x4000, $0x38;
	[tilespmem:$0x19C00] =	vst v63  }
0xcd: {  	_ =	swait.ge [sflag:s28], $0x4000  }
0xce: {  	[sflag:s28] =	ssyncset.done $0x0  }
0xcf: {  	s24 =	simm.s32 $0x1700;
	[sflag:s28] =	ssyncadd.s32 $0xFFFFC000  }
0xd0: {  	[tilespmem:s14], [sflag:$0x5] =	stream.indirect.gather [hbm4b:s2+s1], $0x80, s24, s1, $0xb8;
	[tilespmem:$0x19C00] =	vst v63  }
0xd1: {  	_ =	swait.ge [sflag:s5], $0x4000  }
0xd2: {  	[sflag:s5] =	ssyncset.done $0x0  }
0xd3: {  	s25 =	rddreg [dreg:$0xe];
	[sflag:s5] =	ssyncadd.s32 $0xFFFFC000  }
0xd4: {  	[hbm4b:s25+s4] =	stream.linear.scatter [tilespmem:s9], [sflag:$0x9], $0x4000, $0x38;
	[tilespmem:$0x19C00] =	vst v63  }
0xd5: {  	_ =	swait.ge [sflag:s6], $0x4000  }
0xd6: {  	[sflag:s6] =	ssyncset.done $0x0  }
0xd7: {  	s29 =	simm.s32 $0x1780;
	[sflag:s6] =	ssyncadd.s32 $0xFFFFC000  }
0xd8: {  	[tilespmem:s15], [sflag:$0x6] =	stream.indirect.gather [hbm4b:s2+s1], $0x80, s29, s1, $0xb8;
	[tilespmem:$0x19C00] =	vst v63  }
0xd9: {  	_ =	swait.ge [sflag:s16], $0x4000  }
0xda: {  	[sflag:s16] =	ssyncset.done $0x0  }
0xdb: {  	s10 =	rddreg [dreg:$0xf];
	[sflag:s16] =	ssyncadd.s32 $0xFFFFC000  }
0xdc: {  	[hbm4b:s10+s4] =	stream.linear.scatter [tilespmem:s12], [sflag:$0xA], $0x4000, $0x38;
	[tilespmem:$0x19C00] =	vst v63  }
0xdd: {  	_ =	swait.ge [sflag:s17], $0x4000  }
0xde: {  	[sflag:s17] =	ssyncset.done $0x0  }
0xdf: {  	s21 =	simm.s32 $0x1800;
	[sflag:s17] =	ssyncadd.s32 $0xFFFFC000  }
0xe0: {  	[tilespmem:s30], [sflag:$0x1] =	stream.indirect.gather [hbm4b:s2+s1], $0x80, s21, s1, $0xb8;
	[tilespmem:$0x19C00] =	vst v63  }
0xe1: {  	_ =	swait.ge [sflag:s18], $0x4000  }
0xe2: {  	[sflag:s18] =	ssyncset.done $0x0  }
0xe3: {  	s20 =	rddreg [dreg:$0x10];
	[sflag:s18] =	ssyncadd.s32 $0xFFFFC000  }
0xe4: {  	[hbm4b:s20+s4] =	stream.linear.scatter [tilespmem:s14], [sflag:$0xB], $0x4000, $0x38;
	[tilespmem:$0x19C00] =	vst v63  }
0xe5: {  	_ =	swait.ge [sflag:s19], $0x4000  }
0xe6: {  	[sflag:s19] =	ssyncset.done $0x0  }
0xe7: {  	s22 =	simm.s32 $0x1880;
	[sflag:s19] =	ssyncadd.s32 $0xFFFFC000  }
0xe8: {  	[tilespmem:s8], [sflag:$0x2] =	stream.indirect.gather [hbm4b:s2+s1], $0x80, s22, s1, $0xb8;
	[tilespmem:$0x19C00] =	vst v63  }
0xe9: {  	_ =	swait.ge [sflag:s31], $0x4000  }
0xea: {  	[sflag:s31] =	ssyncset.done $0x0  }
0xeb: {  	s23 =	rddreg [dreg:$0x11];
	[sflag:s31] =	ssyncadd.s32 $0xFFFFC000  }
0xec: {  	[hbm4b:s23+s4] =	stream.linear.scatter [tilespmem:s15], [sflag:$0xC], $0x4000, $0x38;
	[tilespmem:$0x19C00] =	vst v63  }
0xed: {  	_ =	swait.ge [sflag:s11], $0x4000  }
0xee: {  	[sflag:s11] =	ssyncset.done $0x0  }
0xef: {  	s24 =	rddreg [dreg:$0x19];
	[sflag:s11] =	ssyncadd.s32 $0xFFFFC000  }
0xf0: {  	[hbm4b:s24+s4] =	stream.linear.scatter [tilespmem:s30], [sflag:$0x7], $0x4000, $0x38;
	[tilespmem:$0x19C00] =	vst v63  }
0xf1: {  	_ =	swait.ge [sflag:s13], $0x4000  }
0xf2: {  	[sflag:s13] =	ssyncset.done $0x0  }
0xf3: {  	s25 =	rddreg [dreg:$0x1a];
	[sflag:s13] =	ssyncadd.s32 $0xFFFFC000  }
0xf4: {  	[hbm4b:s25+s4] =	stream.linear.scatter [tilespmem:s8], [sflag:$0x8], $0x4000, $0x38;
	[tilespmem:$0x19C00] =	vst v63  }
0xf5: {  	_ =	swait.ge [sflag:s0], $0x4000  }
0xf6: {  	[sflag:s0] =	ssyncset.done $0x0  }
0xf7: {  	[sflag:s0] =	ssyncadd.s32 $0xFFFFC000  }
0xf8: {  	_ =	swait.ge [sflag:s26], $0x4000  }
0xf9: {  	[sflag:s26] =	ssyncset.done $0x0  }
0xfa: {  	[sflag:s26] =	ssyncadd.s32 $0xFFFFC000  }
0xfb: {  	_ =	swait.ge [sflag:s28], $0x4000  }
0xfc: {  	[sflag:s28] =	ssyncset.done $0x0  }
0xfd: {  	[sflag:s28] =	ssyncadd.s32 $0xFFFFC000  }
0xfe: {  	_ =	swait.ge [sflag:s6], $0x4000  }
0xff: {  	[sflag:s6] =	ssyncset.done $0x0  }
0x100: {  	[sflag:s6] =	ssyncadd.s32 $0xFFFFC000  }
0x101: {  	_ =	swait.ge [sflag:s17], $0x4000  }
0x102: {  	[sflag:s17] =	ssyncset.done $0x0  }
0x103: {  	[sflag:s17] =	ssyncadd.s32 $0xFFFFC000  }
0x104: {  	_ =	swait.ge [sflag:s19], $0x4000  }
0x105: {  	s10 =	rddreg [dreg:$0x1b]  }
0x106: {  	s29 =	rddreg [dreg:$0x12];
	s10 =	sadd.s32 $0x1, s10  }
0x107: {  	p0 =	sne.s32 s10, s29  }
.Ltmp1:
0x108: {  	_ = 	snop;
	(pc) =	sbr.rel @p0 .LBB2_1-.Ltmp1, $3  }
0x109: {  	_ =	sdelay $0x1  }
0x10a: {  	[sflag:s19] =	ssyncset.done $0x0  }
0x10b: {  	[sflag:s19] =	ssyncadd.s32 $0xFFFFC000  }
0x10c: {  	_ =	sfence.sel $0x180000  }
0x10d: {  	[bflag:$0x0] =	sbarrier.arrive $0xFFFF  }
0x10e: {  	_ =	strace $0x90000047  }
0x10f: {  	s0 =	stileid.u32;
	[bflag:$0x2] =	sbarrier.arrive $0xFFFF  }
0x110: {  	p0 =	sne.s32 s0, $0x0;
	s0 =	rddreg [dreg:$0x3]  }
0x111: {  	s0 =	sadd.s32 @!p0 $0x100000, s0  }
0x112: {  	[sflag:s0] =	ssyncadd.tile.s32 @!p0 $0x1;
	_ =	shalt  }
.Lfunc_end2:
_tile_overlayer_lowered:
.L_overlay_start_2:
0x113: {  	(tag) =	ssettag $0x2  }
0x114: {  	s0 =	rddreg [dreg:$0x0];
	s2 =	stileid.u32  }
0x115: {  	s1 =	rddreg [dreg:$0x1];
	p0 =	sne.s32 s2, $0x0  }
0x116: {  	s3 =	rddreg [dreg:$0x2];
	[bflag:$0x3] =	sbarrier.arrive $0xFFFF;
	s2 =	simm.s32 @!p0 $0x1C0E  }
0x117: {  	[timem:s3], [sflag:s2] =	dma.local @!p0 [hbm:s0], s1  }
0x118: {  	s0 =	simm.s32 @!p0 $0xE  }
0x119: {  	_ =	swait.ge @!p0 [sflag:s0], s1  }
0x11a: {  	s1 =	ssub.s32 @!p0 $0x0, s1;
	[sflag:s0] =	ssyncset.done @!p0 $0x0  }
0x11b: {  	[sflag:s0] =	ssyncadd.s32 @!p0 s1  }
0x11c: {  	[bflag:$0x3] =	sbarrier.arrive $0xFFFF  }
0x11d: {  	_ =	shalt  }

</sc_bundles>
